<compile_context>
chip_gen: v7x
topology: tpu7x:2x2x1
jax: 0.10.2.dev20260603
libtpu: 0.0.44.dev20260713+nightly
codegen_flags: <defaults>
</compile_context>

<pallas_src>
import jax
import jax.numpy as jnp
from jax import lax
from jax.experimental import pallas as pl
from jax.experimental.pallas import tpu as pltpu
from jax.experimental.pallas import tpu_sc as plsc

N = 10000
E = 320000
D = 128
NC = 2
NS = 16
L = 16
NW = NC * NS
ET = E // NW
PT = 10240
EROWS = NW * PT // 128
TA = EROWS // NS
TB = EROWS // NW
NP = 10240
NT = NP // NS


def _sc_body(wa_hbm, wb_hbm, src_hbm, dst_hbm, feat_hbm,
             z_out, den_out, deg_out,
             wbufA, dbufA, src16, dst16, w16, e16, val16, rows, zf, s_loc,
             s_acc, den_acc, deg_acc, z_acc, sem):
    c = lax.axis_index("c")
    s = lax.axis_index("s")
    base_n = s * NT

    def _z1(i, carry):
        zf[pl.ds(i * L, L)] = jnp.zeros((L,), jnp.float32)
        return carry
    lax.fori_loop(0, NT // L, _z1, None)

    def _z2(i, carry):
        rows[i >> 3, pl.ds((i & 7) * L, L)] = jnp.zeros((L,), jnp.float32)
        return carry
    lax.fori_loop(0, 128 * 8, _z2, None)

    pltpu.sync_copy(zf, s_acc.at[pl.ds(base_n, NT)])
    pltpu.sync_copy(zf, den_acc.at[pl.ds(base_n, NT)])
    pltpu.sync_copy(zf, deg_acc.at[pl.ds(base_n, NT)])
    for q in range(NT // 128):
        pltpu.sync_copy(rows, z_acc.at[pl.ds(base_n + q * 128, 128)])
    plsc.subcore_barrier()

    def _phA(ch, carry):
        r0 = s * TA + ch * 16
        pltpu.sync_copy(wa_hbm.at[pl.ds(r0, 16)], wbufA)
        pltpu.sync_copy(dst_hbm.at[pl.ds(r0, 16)], dbufA)

        def _scat(j, carry2):
            pltpu.sync_copy(wbufA.at[j], s_acc.at[dbufA.at[j]], add=True)
            return carry2
        return lax.fori_loop(0, 16, _scat, carry)
    lax.fori_loop(0, TA // 16, _phA, None)
    plsc.subcore_barrier()

    pltpu.sync_copy(s_acc, s_loc)

    g = c * NS + s

    def _phBC(r, carry):
        r0 = g * TB + r * 16
        pltpu.sync_copy(src_hbm.at[pl.ds(r0, 16)], src16)
        pltpu.sync_copy(dst_hbm.at[pl.ds(r0, 16)], dst16)
        pltpu.sync_copy(wb_hbm.at[pl.ds(r0, 16)], w16)

        def _eb(t, carry2):
            j = t >> 3
            k = (t & 7) * L
            wv = w16[j, pl.ds(k, L)]
            dv = dst16[j, pl.ds(k, L)]
            sv = plsc.load_gather(s_loc, [dv])
            ev = jnp.exp(-(wv / jnp.maximum(sv, 1e-12)))
            msk = wv >= 0.0
            e16[j, pl.ds(k, L)] = jnp.where(msk, ev, 0.0)
            val16[j, pl.ds(k, L)] = jnp.where(msk, 1.0, 0.0)
            return carry2
        lax.fori_loop(0, 128, _eb, carry)

        def _rowloop(j, carry2):
            pltpu.async_copy(feat_hbm.at[src16.at[j]], rows, sem).wait()

            def _scale(i, carry3):
                jv = jnp.full((L,), j, jnp.int32)
                iv = jnp.full((L,), i, jnp.int32)
                es = plsc.load_gather(e16, [jv, iv])
                for k in range(8):
                    sl = pl.ds(k * L, L)
                    rows[i, sl] = rows[i, sl] * es
                return carry3
            lax.fori_loop(0, 128, _scale, carry2)
            pltpu.sync_copy(rows, z_acc.at[dst16.at[j]], add=True)
            pltpu.sync_copy(e16.at[j], den_acc.at[dst16.at[j]], add=True)
            pltpu.sync_copy(val16.at[j], deg_acc.at[dst16.at[j]], add=True)
            return carry2
        return lax.fori_loop(0, 16, _rowloop, carry)
    lax.fori_loop(0, TB // 16, _phBC, None)
    plsc.subcore_barrier()

    pltpu.sync_copy(z_acc.at[pl.ds(base_n, NT)], z_out.at[c, pl.ds(base_n, NT)])
    pltpu.sync_copy(den_acc.at[pl.ds(base_n, NT)],
                    den_out.at[c, pl.ds(base_n, NT)])
    pltpu.sync_copy(deg_acc.at[pl.ds(base_n, NT)],
                    deg_out.at[c, pl.ds(base_n, NT)])


_sc_call = pl.kernel(
    _sc_body,
    out_type=(
        jax.ShapeDtypeStruct((NC, NP, D), jnp.float32),
        jax.ShapeDtypeStruct((NC, NP), jnp.float32),
        jax.ShapeDtypeStruct((NC, NP), jnp.float32),
    ),
    mesh=plsc.VectorSubcoreMesh(core_axis_name="c", subcore_axis_name="s",
                                num_cores=NC, num_subcores=NS),
    compiler_params=pltpu.CompilerParams(needs_layout_passes=False),
    scratch_types=[
        pltpu.VMEM((16, 128), jnp.float32),
        pltpu.VMEM((16, 128), jnp.int32),
        pltpu.VMEM((16, 128), jnp.int32),
        pltpu.VMEM((16, 128), jnp.int32),
        pltpu.VMEM((16, 128), jnp.float32),
        pltpu.VMEM((16, 128), jnp.float32),
        pltpu.VMEM((16, 128), jnp.float32),
        pltpu.VMEM((128, D), jnp.float32),
        pltpu.VMEM((NT,), jnp.float32),
        pltpu.VMEM((NP,), jnp.float32),
        pltpu.VMEM_SHARED((NP,), jnp.float32),
        pltpu.VMEM_SHARED((NP,), jnp.float32),
        pltpu.VMEM_SHARED((NP,), jnp.float32),
        pltpu.VMEM_SHARED((NP, D), jnp.float32),
        pltpu.SemaphoreType.DMA,
    ],
)


def _tc_body(feat_ref, z0_ref, z1_ref, dd0_ref, dd1_ref,
             wp_ref, bp_ref, ws_ref, bs_ref, out_ref):
    z = z0_ref[...] + z1_ref[...]
    den = dd0_ref[:, 0:1] + dd1_ref[:, 0:1]
    deg = dd0_ref[:, 1:2] + dd1_ref[:, 1:2]
    rden = 1.0 / jnp.maximum(den, 1e-12)
    sfrac = den * rden
    rdeg = 1.0 / jnp.maximum(deg, 1.0)
    zn = z * rden
    m = jnp.dot(zn, wp_ref[...], preferred_element_type=jnp.float32)
    agg = (m + sfrac * bp_ref[...]) * rdeg
    out_ref[...] = (jnp.dot(feat_ref[...], ws_ref[...],
                            preferred_element_type=jnp.float32)
                    + bs_ref[...] + agg)


_BN = 1000


def kernel(feat, edge_index, efeat, W_pool, b_pool, W_self, b_self):
    src = edge_index[0]
    dst = edge_index[1]
    w = efeat[:, 0]

    pad = PT - ET
    src2 = jnp.pad(src.reshape(NW, ET), ((0, 0), (0, pad))).reshape(EROWS, 128)
    dst2 = jnp.pad(dst.reshape(NW, ET), ((0, 0), (0, pad))).reshape(EROWS, 128)
    w2r = w.reshape(NW, ET)
    wa2 = jnp.pad(w2r, ((0, 0), (0, pad))).reshape(EROWS, 128)
    wb2 = jnp.pad(w2r, ((0, 0), (0, pad)),
                  constant_values=-1.0).reshape(EROWS, 128)

    z_part, den_part, deg_part = _sc_call(wa2, wb2, src2, dst2, feat)

    dd0 = jnp.stack([den_part[0, :N], deg_part[0, :N]], axis=-1)
    dd1 = jnp.stack([den_part[1, :N], deg_part[1, :N]], axis=-1)
    z0 = z_part[0, :N]
    z1 = z_part[1, :N]
    bp = b_pool.reshape(1, D)
    bs = b_self.reshape(1, D)

    out = pl.pallas_call(
        _tc_body,
        out_shape=jax.ShapeDtypeStruct((N, D), jnp.float32),
        grid=(N // _BN,),
        in_specs=[
            pl.BlockSpec((_BN, D), lambda i: (i, 0)),
            pl.BlockSpec((_BN, D), lambda i: (i, 0)),
            pl.BlockSpec((_BN, D), lambda i: (i, 0)),
            pl.BlockSpec((_BN, 2), lambda i: (i, 0)),
            pl.BlockSpec((_BN, 2), lambda i: (i, 0)),
            pl.BlockSpec((D, D), lambda i: (0, 0)),
            pl.BlockSpec((1, D), lambda i: (0, 0)),
            pl.BlockSpec((D, D), lambda i: (0, 0)),
            pl.BlockSpec((1, D), lambda i: (0, 0)),
        ],
        out_specs=pl.BlockSpec((_BN, D), lambda i: (i, 0)),
    )(feat, z0, z1, dd0, dd1, W_pool, bp, W_self, bs)
    return out

# --- scband reference (transcript-rebuilt; emitter-appended) ---
"""Pipeline reference for scband-ewconv-49632642073094 (READ-ONLY COPY).

The authoritative reference and input builder live on the scoring server;
editing this copy changes nothing except your own understanding.
"""

import jax, jax.numpy as jnp
import numpy as np

N = 10000
E = 320000
D_IN = 128
D_OUT = 128

def setup_inputs(seed: int = 0):
    key = jax.random.key(seed)
    ks = jax.random.split(key, 5)
    feat = jax.random.normal(ks[0], (N, D_IN), dtype=jnp.float32)
    edge_index = jax.random.randint(ks[1], (2, E), 0, N, dtype=jnp.int32)
    efeat = jax.random.uniform(ks[2], (E, 1), dtype=jnp.float32)
    gain = np.sqrt(2.0)
    bound_p = gain * np.sqrt(6.0 / (D_IN + D_OUT))
    W_pool = jax.random.uniform(ks[3], (D_IN, D_OUT), minval=-bound_p, maxval=bound_p, dtype=jnp.float32)
    b_pool = jnp.zeros((D_OUT,), dtype=jnp.float32)
    bound_s = np.sqrt(6.0 / (D_IN + D_OUT))
    W_self = jax.random.uniform(ks[4], (D_IN, D_OUT), minval=-bound_s, maxval=bound_s, dtype=jnp.float32)
    b_self = jnp.zeros((D_OUT,), dtype=jnp.float32)
    return {"feat": feat, "edge_index": edge_index, "efeat": efeat,
            "W_pool": W_pool, "b_pool": b_pool, "W_self": W_self, "b_self": b_self}

def reference(feat, edge_index, efeat, W_pool, b_pool, W_self, b_self):
    src = edge_index[0]
    dst = edge_index[1]
    n = feat.shape[0]
    # per-edge scalar weight (efeat is [E, 1])
    w = efeat[:, 0]
    # normalize edge weights by per-dst sum: w_e / sum_{e' -> dst} w_e'
    sum_w = jax.ops.segment_sum(w, dst, num_segments=n)
    w_norm = w / jnp.maximum(sum_w, 1e-12)[dst]
    # edge_func = softmin over the incoming-edge (mailbox) dimension of each dst node
    neg = -w_norm
    mx = jax.ops.segment_max(neg, dst, num_segments=n)
    mx = jnp.where(jnp.isfinite(mx), mx, 0.0)  # zero-degree nodes -> -inf guard
    e = jnp.exp(neg - mx[dst])
    denom = jax.ops.segment_sum(e, dst, num_segments=n)
    alpha = e / jnp.maximum(denom, 1e-12)[dst]
    # pool_func applied to source features, gathered along edges
    h = feat @ W_pool + b_pool
    msg = alpha[:, None] * h[src]
    # mean aggregator over the mailbox: segment_sum / degree
    agg_sum = jax.ops.segment_sum(msg, dst, num_segments=n)
    deg = jax.ops.segment_sum(jnp.ones_like(w), dst, num_segments=n)
    agg = agg_sum / jnp.maximum(deg, 1.0)[:, None]
    # self transform + aggregated neighborhood
    out = feat @ W_self + b_self + agg
    return out

if __name__ == "__main__":
    import jax
    _d = setup_inputs()
    print(jax.jit(kernel)(*tuple(_d.values())))

</pallas_src>

<mosaic_0001>
#map = affine_map<(d0, d1) -> (0, 0)>
#map1 = affine_map<(d0, d1) -> (0, 0, 0)>
module attributes {stable_mosaic.version = 14 : i64} {
  func.func @_sc_body(%arg0: i32, %arg1: i32, %arg2: memref<2560x128xf32, #tpu.memory_space<hbm>>, %arg3: memref<2560x128xf32, #tpu.memory_space<hbm>>, %arg4: memref<2560x128xi32, #tpu.memory_space<hbm>>, %arg5: memref<2560x128xi32, #tpu.memory_space<hbm>>, %arg6: memref<10000x128xf32, #tpu.memory_space<hbm>>, %arg7: memref<2x10240x128xf32, #tpu.memory_space<hbm>>, %arg8: memref<2x10240xf32, #tpu.memory_space<hbm>>, %arg9: memref<2x10240xf32, #tpu.memory_space<hbm>>, %arg10: memref<16x128xf32, #tpu.memory_space<vmem>>, %arg11: memref<16x128xi32, #tpu.memory_space<vmem>>, %arg12: memref<16x128xi32, #tpu.memory_space<vmem>>, %arg13: memref<16x128xi32, #tpu.memory_space<vmem>>, %arg14: memref<16x128xf32, #tpu.memory_space<vmem>>, %arg15: memref<16x128xf32, #tpu.memory_space<vmem>>, %arg16: memref<16x128xf32, #tpu.memory_space<vmem>>, %arg17: memref<128x128xf32, #tpu.memory_space<vmem>>, %arg18: memref<640xf32, #tpu.memory_space<vmem>>, %arg19: memref<10240xf32, #tpu.memory_space<vmem>>, %arg20: memref<10240xf32, #tpu.memory_space<vmem_shared>>, %arg21: memref<10240xf32, #tpu.memory_space<vmem_shared>>, %arg22: memref<10240xf32, #tpu.memory_space<vmem_shared>>, %arg23: memref<10240x128xf32, #tpu.memory_space<vmem_shared>>, %arg24: memref<!tpu.dma_semaphore, #tpu.memory_space<semaphore_mem>>) attributes {dimension_semantics = [#tpu.dimension_semantics<core_parallel>, #tpu.dimension_semantics<subcore_parallel>], iteration_bounds = array<i64: 2, 16>, scalar_prefetch = 0 : i64, scratch_operands = 15 : i64, tpu.core_type = #tpu.core_type<sc_vector_subcore>, window_params = [{transform_indices = #map}, {transform_indices = #map}, {transform_indices = #map}, {transform_indices = #map}, {transform_indices = #map}, {transform_indices = #map1}, {transform_indices = #map}, {transform_indices = #map}]} {
    %mul3A = arith.constant 640 : i32
    %mul3A_0 = arith.muli %arg1, %mul3A : i32
    %scan3A = arith.constant 0 : i32
    %scan3A_1 = arith.constant 40 : i32
    %scan3A_2 = arith.addi %scan3A, %scan3A_1 : i32
    %scan3A_3 = arith.constant 1 : i32
    scf.for %scan3A_34 = %scan3A to %scan3A_2 step %scan3A_3  : i32 {
      %broadcast_in_dim3A = arith.constant 0.000000e+00 : f32
      %broadcast_in_dim3A_35 = vector.broadcast %broadcast_in_dim3A : f32 to vector<16xf32>
      %mul3A_36 = arith.constant 16 : i32
      %mul3A_37 = arith.muli %scan3A_34, %mul3A_36 : i32
      %swap3A = arith.index_cast %mul3A_37 : i32 to index
      %swap3A_38 = tpu.vector_load %arg18[%swap3A] {strides = array<i32>} : memref<640xf32, #tpu.memory_space<vmem>>, vector<16xf32>,
      tpu.vector_store %arg18[%swap3A], %broadcast_in_dim3A_35 {strides = array<i32>} : memref<640xf32, #tpu.memory_space<vmem>>, vector<16xf32>,
    }
    %scan3A_4 = arith.constant 40 : i32
    %scan3A_5 = arith.constant 0 : i32
    %scan3A_6 = arith.constant 1024 : i32
    %scan3A_7 = arith.addi %scan3A_5, %scan3A_6 : i32
    %scan3A_8 = arith.constant 1 : i32
    scf.for %scan3A_34 = %scan3A_5 to %scan3A_7 step %scan3A_8  : i32 {
      %broadcast_in_dim3A = arith.constant 0.000000e+00 : f32
      %broadcast_in_dim3A_35 = vector.broadcast %broadcast_in_dim3A : f32 to vector<16xf32>
      %shift_right_arithmetic3A = arith.constant 3 : i32
      %shift_right_arithmetic3A_36 = arith.shrsi %scan3A_34, %shift_right_arithmetic3A : i32
      %and3A = arith.constant 7 : i32
      %and3A_37 = arith.andi %scan3A_34, %and3A : i32
      %mul3A_38 = arith.constant 16 : i32
      %mul3A_39 = arith.muli %and3A_37, %mul3A_38 : i32
      %swap3A = arith.index_cast %shift_right_arithmetic3A_36 : i32 to index
      %swap3A_40 = arith.index_cast %mul3A_39 : i32 to index
      %swap3A_41 = tpu.vector_load %arg17[%swap3A, %swap3A_40] {strides = array<i32>} : memref<128x128xf32, #tpu.memory_space<vmem>>, vector<16xf32>,
      tpu.vector_store %arg17[%swap3A, %swap3A_40], %broadcast_in_dim3A_35 {strides = array<i32>} : memref<128x128xf32, #tpu.memory_space<vmem>>, vector<16xf32>,
    }
    %scan3A_9 = arith.constant 1024 : i32
    "tpu.region"() ({
      %run_scoped3A = tpu.sem_alloc : memref<!tpu.dma_semaphore, #tpu.memory_space<semaphore_mem>>
      %dma_start3A = tpu.memref_slice %arg20[%mul3A_0] : memref<10240xf32, #tpu.memory_space<vmem_shared>> -> memref<640xf32, #tpu.memory_space<vmem_shared>>
      %dma_start3A_34 = tpu.memref_slice %arg20[%mul3A_0] : memref<10240xf32, #tpu.memory_space<vmem_shared>> -> memref<640xf32, #tpu.memory_space<vmem_shared>>
      tpu.enqueue_dma source(%arg18 : memref<640xf32, #tpu.memory_space<vmem>>) target(%dma_start3A_34 : memref<640xf32, #tpu.memory_space<vmem_shared>>) target_semaphore(%run_scoped3A : memref<!tpu.dma_semaphore, #tpu.memory_space<semaphore_mem>>)
      %dma_wait3A = tpu.memref_slice %arg20[%mul3A_0] : memref<10240xf32, #tpu.memory_space<vmem_shared>> -> memref<640xf32, #tpu.memory_space<vmem_shared>>
      %dma_wait3A_35 = tpu.memref_slice %arg20[%mul3A_0] : memref<10240xf32, #tpu.memory_space<vmem_shared>> -> memref<640xf32, #tpu.memory_space<vmem_shared>>
      tpu.wait_dma2 semaphore(%run_scoped3A : memref<!tpu.dma_semaphore, #tpu.memory_space<semaphore_mem>>) src(%arg18 : memref<640xf32, #tpu.memory_space<vmem>>) dst(%dma_wait3A_35 : memref<640xf32, #tpu.memory_space<vmem_shared>>)
      tpu.yield
    }) : () -> ()
    "tpu.region"() ({
      %run_scoped3A = tpu.sem_alloc : memref<!tpu.dma_semaphore, #tpu.memory_space<semaphore_mem>>
      %dma_start3A = tpu.memref_slice %arg21[%mul3A_0] : memref<10240xf32, #tpu.memory_space<vmem_shared>> -> memref<640xf32, #tpu.memory_space<vmem_shared>>
      %dma_start3A_34 = tpu.memref_slice %arg21[%mul3A_0] : memref<10240xf32, #tpu.memory_space<vmem_shared>> -> memref<640xf32, #tpu.memory_space<vmem_shared>>
      tpu.enqueue_dma source(%arg18 : memref<640xf32, #tpu.memory_space<vmem>>) target(%dma_start3A_34 : memref<640xf32, #tpu.memory_space<vmem_shared>>) target_semaphore(%run_scoped3A : memref<!tpu.dma_semaphore, #tpu.memory_space<semaphore_mem>>)
      %dma_wait3A = tpu.memref_slice %arg21[%mul3A_0] : memref<10240xf32, #tpu.memory_space<vmem_shared>> -> memref<640xf32, #tpu.memory_space<vmem_shared>>
      %dma_wait3A_35 = tpu.memref_slice %arg21[%mul3A_0] : memref<10240xf32, #tpu.memory_space<vmem_shared>> -> memref<640xf32, #tpu.memory_space<vmem_shared>>
      tpu.wait_dma2 semaphore(%run_scoped3A : memref<!tpu.dma_semaphore, #tpu.memory_space<semaphore_mem>>) src(%arg18 : memref<640xf32, #tpu.memory_space<vmem>>) dst(%dma_wait3A_35 : memref<640xf32, #tpu.memory_space<vmem_shared>>)
      tpu.yield
    }) : () -> ()
    "tpu.region"() ({
      %run_scoped3A = tpu.sem_alloc : memref<!tpu.dma_semaphore, #tpu.memory_space<semaphore_mem>>
      %dma_start3A = tpu.memref_slice %arg22[%mul3A_0] : memref<10240xf32, #tpu.memory_space<vmem_shared>> -> memref<640xf32, #tpu.memory_space<vmem_shared>>
      %dma_start3A_34 = tpu.memref_slice %arg22[%mul3A_0] : memref<10240xf32, #tpu.memory_space<vmem_shared>> -> memref<640xf32, #tpu.memory_space<vmem_shared>>
      tpu.enqueue_dma source(%arg18 : memref<640xf32, #tpu.memory_space<vmem>>) target(%dma_start3A_34 : memref<640xf32, #tpu.memory_space<vmem_shared>>) target_semaphore(%run_scoped3A : memref<!tpu.dma_semaphore, #tpu.memory_space<semaphore_mem>>)
      %dma_wait3A = tpu.memref_slice %arg22[%mul3A_0] : memref<10240xf32, #tpu.memory_space<vmem_shared>> -> memref<640xf32, #tpu.memory_space<vmem_shared>>
      %dma_wait3A_35 = tpu.memref_slice %arg22[%mul3A_0] : memref<10240xf32, #tpu.memory_space<vmem_shared>> -> memref<640xf32, #tpu.memory_space<vmem_shared>>
      tpu.wait_dma2 semaphore(%run_scoped3A : memref<!tpu.dma_semaphore, #tpu.memory_space<semaphore_mem>>) src(%arg18 : memref<640xf32, #tpu.memory_space<vmem>>) dst(%dma_wait3A_35 : memref<640xf32, #tpu.memory_space<vmem_shared>>)
      tpu.yield
    }) : () -> ()
    %add3A = arith.constant 0 : i32
    %add3A_10 = arith.addi %mul3A_0, %add3A : i32
    "tpu.region"() ({
      %run_scoped3A = tpu.sem_alloc : memref<!tpu.dma_semaphore, #tpu.memory_space<semaphore_mem>>
      %dma_start3A = arith.constant 0 : i32
      %dma_start3A_34 = tpu.memref_slice %arg23[%add3A_10, %dma_start3A] : memref<10240x128xf32, #tpu.memory_space<vmem_shared>> -> memref<128x128xf32, #tpu.memory_space<vmem_shared>>
      %dma_start3A_35 = arith.constant 0 : i32
      %dma_start3A_36 = tpu.memref_slice %arg23[%add3A_10, %dma_start3A_35] : memref<10240x128xf32, #tpu.memory_space<vmem_shared>> -> memref<128x128xf32, #tpu.memory_space<vmem_shared>>
      tpu.enqueue_dma source(%arg17 : memref<128x128xf32, #tpu.memory_space<vmem>>) target(%dma_start3A_36 : memref<128x128xf32, #tpu.memory_space<vmem_shared>>) target_semaphore(%run_scoped3A : memref<!tpu.dma_semaphore, #tpu.memory_space<semaphore_mem>>)
      %dma_wait3A = arith.constant 0 : i32
      %dma_wait3A_37 = tpu.memref_slice %arg23[%add3A_10, %dma_wait3A] : memref<10240x128xf32, #tpu.memory_space<vmem_shared>> -> memref<128x128xf32, #tpu.memory_space<vmem_shared>>
      %dma_wait3A_38 = arith.constant 0 : i32
      %dma_wait3A_39 = tpu.memref_slice %arg23[%add3A_10, %dma_wait3A_38] : memref<10240x128xf32, #tpu.memory_space<vmem_shared>> -> memref<128x128xf32, #tpu.memory_space<vmem_shared>>
      tpu.wait_dma2 semaphore(%run_scoped3A : memref<!tpu.dma_semaphore, #tpu.memory_space<semaphore_mem>>) src(%arg17 : memref<128x128xf32, #tpu.memory_space<vmem>>) dst(%dma_wait3A_39 : memref<128x128xf32, #tpu.memory_space<vmem_shared>>)
      tpu.yield
    }) : () -> ()
    %add3A_11 = arith.constant 128 : i32
    %add3A_12 = arith.addi %mul3A_0, %add3A_11 : i32
    "tpu.region"() ({
      %run_scoped3A = tpu.sem_alloc : memref<!tpu.dma_semaphore, #tpu.memory_space<semaphore_mem>>
      %dma_start3A = arith.constant 0 : i32
      %dma_start3A_34 = tpu.memref_slice %arg23[%add3A_12, %dma_start3A] : memref<10240x128xf32, #tpu.memory_space<vmem_shared>> -> memref<128x128xf32, #tpu.memory_space<vmem_shared>>
      %dma_start3A_35 = arith.constant 0 : i32
      %dma_start3A_36 = tpu.memref_slice %arg23[%add3A_12, %dma_start3A_35] : memref<10240x128xf32, #tpu.memory_space<vmem_shared>> -> memref<128x128xf32, #tpu.memory_space<vmem_shared>>
      tpu.enqueue_dma source(%arg17 : memref<128x128xf32, #tpu.memory_space<vmem>>) target(%dma_start3A_36 : memref<128x128xf32, #tpu.memory_space<vmem_shared>>) target_semaphore(%run_scoped3A : memref<!tpu.dma_semaphore, #tpu.memory_space<semaphore_mem>>)
      %dma_wait3A = arith.constant 0 : i32
      %dma_wait3A_37 = tpu.memref_slice %arg23[%add3A_12, %dma_wait3A] : memref<10240x128xf32, #tpu.memory_space<vmem_shared>> -> memref<128x128xf32, #tpu.memory_space<vmem_shared>>
      %dma_wait3A_38 = arith.constant 0 : i32
      %dma_wait3A_39 = tpu.memref_slice %arg23[%add3A_12, %dma_wait3A_38] : memref<10240x128xf32, #tpu.memory_space<vmem_shared>> -> memref<128x128xf32, #tpu.memory_space<vmem_shared>>
      tpu.wait_dma2 semaphore(%run_scoped3A : memref<!tpu.dma_semaphore, #tpu.memory_space<semaphore_mem>>) src(%arg17 : memref<128x128xf32, #tpu.memory_space<vmem>>) dst(%dma_wait3A_39 : memref<128x128xf32, #tpu.memory_space<vmem_shared>>)
      tpu.yield
    }) : () -> ()
    %add3A_13 = arith.constant 256 : i32
    %add3A_14 = arith.addi %mul3A_0, %add3A_13 : i32
    "tpu.region"() ({
      %run_scoped3A = tpu.sem_alloc : memref<!tpu.dma_semaphore, #tpu.memory_space<semaphore_mem>>
      %dma_start3A = arith.constant 0 : i32
      %dma_start3A_34 = tpu.memref_slice %arg23[%add3A_14, %dma_start3A] : memref<10240x128xf32, #tpu.memory_space<vmem_shared>> -> memref<128x128xf32, #tpu.memory_space<vmem_shared>>
      %dma_start3A_35 = arith.constant 0 : i32
      %dma_start3A_36 = tpu.memref_slice %arg23[%add3A_14, %dma_start3A_35] : memref<10240x128xf32, #tpu.memory_space<vmem_shared>> -> memref<128x128xf32, #tpu.memory_space<vmem_shared>>
      tpu.enqueue_dma source(%arg17 : memref<128x128xf32, #tpu.memory_space<vmem>>) target(%dma_start3A_36 : memref<128x128xf32, #tpu.memory_space<vmem_shared>>) target_semaphore(%run_scoped3A : memref<!tpu.dma_semaphore, #tpu.memory_space<semaphore_mem>>)
      %dma_wait3A = arith.constant 0 : i32
      %dma_wait3A_37 = tpu.memref_slice %arg23[%add3A_14, %dma_wait3A] : memref<10240x128xf32, #tpu.memory_space<vmem_shared>> -> memref<128x128xf32, #tpu.memory_space<vmem_shared>>
      %dma_wait3A_38 = arith.constant 0 : i32
      %dma_wait3A_39 = tpu.memref_slice %arg23[%add3A_14, %dma_wait3A_38] : memref<10240x128xf32, #tpu.memory_space<vmem_shared>> -> memref<128x128xf32, #tpu.memory_space<vmem_shared>>
      tpu.wait_dma2 semaphore(%run_scoped3A : memref<!tpu.dma_semaphore, #tpu.memory_space<semaphore_mem>>) src(%arg17 : memref<128x128xf32, #tpu.memory_space<vmem>>) dst(%dma_wait3A_39 : memref<128x128xf32, #tpu.memory_space<vmem_shared>>)
      tpu.yield
    }) : () -> ()
    %add3A_15 = arith.constant 384 : i32
    %add3A_16 = arith.addi %mul3A_0, %add3A_15 : i32
    "tpu.region"() ({
      %run_scoped3A = tpu.sem_alloc : memref<!tpu.dma_semaphore, #tpu.memory_space<semaphore_mem>>
      %dma_start3A = arith.constant 0 : i32
      %dma_start3A_34 = tpu.memref_slice %arg23[%add3A_16, %dma_start3A] : memref<10240x128xf32, #tpu.memory_space<vmem_shared>> -> memref<128x128xf32, #tpu.memory_space<vmem_shared>>
      %dma_start3A_35 = arith.constant 0 : i32
      %dma_start3A_36 = tpu.memref_slice %arg23[%add3A_16, %dma_start3A_35] : memref<10240x128xf32, #tpu.memory_space<vmem_shared>> -> memref<128x128xf32, #tpu.memory_space<vmem_shared>>
      tpu.enqueue_dma source(%arg17 : memref<128x128xf32, #tpu.memory_space<vmem>>) target(%dma_start3A_36 : memref<128x128xf32, #tpu.memory_space<vmem_shared>>) target_semaphore(%run_scoped3A : memref<!tpu.dma_semaphore, #tpu.memory_space<semaphore_mem>>)
      %dma_wait3A = arith.constant 0 : i32
      %dma_wait3A_37 = tpu.memref_slice %arg23[%add3A_16, %dma_wait3A] : memref<10240x128xf32, #tpu.memory_space<vmem_shared>> -> memref<128x128xf32, #tpu.memory_space<vmem_shared>>
      %dma_wait3A_38 = arith.constant 0 : i32
      %dma_wait3A_39 = tpu.memref_slice %arg23[%add3A_16, %dma_wait3A_38] : memref<10240x128xf32, #tpu.memory_space<vmem_shared>> -> memref<128x128xf32, #tpu.memory_space<vmem_shared>>
      tpu.wait_dma2 semaphore(%run_scoped3A : memref<!tpu.dma_semaphore, #tpu.memory_space<semaphore_mem>>) src(%arg17 : memref<128x128xf32, #tpu.memory_space<vmem>>) dst(%dma_wait3A_39 : memref<128x128xf32, #tpu.memory_space<vmem_shared>>)
      tpu.yield
    }) : () -> ()
    %add3A_17 = arith.constant 512 : i32
    %add3A_18 = arith.addi %mul3A_0, %add3A_17 : i32
    "tpu.region"() ({
      %run_scoped3A = tpu.sem_alloc : memref<!tpu.dma_semaphore, #tpu.memory_space<semaphore_mem>>
      %dma_start3A = arith.constant 0 : i32
      %dma_start3A_34 = tpu.memref_slice %arg23[%add3A_18, %dma_start3A] : memref<10240x128xf32, #tpu.memory_space<vmem_shared>> -> memref<128x128xf32, #tpu.memory_space<vmem_shared>>
      %dma_start3A_35 = arith.constant 0 : i32
      %dma_start3A_36 = tpu.memref_slice %arg23[%add3A_18, %dma_start3A_35] : memref<10240x128xf32, #tpu.memory_space<vmem_shared>> -> memref<128x128xf32, #tpu.memory_space<vmem_shared>>
      tpu.enqueue_dma source(%arg17 : memref<128x128xf32, #tpu.memory_space<vmem>>) target(%dma_start3A_36 : memref<128x128xf32, #tpu.memory_space<vmem_shared>>) target_semaphore(%run_scoped3A : memref<!tpu.dma_semaphore, #tpu.memory_space<semaphore_mem>>)
      %dma_wait3A = arith.constant 0 : i32
      %dma_wait3A_37 = tpu.memref_slice %arg23[%add3A_18, %dma_wait3A] : memref<10240x128xf32, #tpu.memory_space<vmem_shared>> -> memref<128x128xf32, #tpu.memory_space<vmem_shared>>
      %dma_wait3A_38 = arith.constant 0 : i32
      %dma_wait3A_39 = tpu.memref_slice %arg23[%add3A_18, %dma_wait3A_38] : memref<10240x128xf32, #tpu.memory_space<vmem_shared>> -> memref<128x128xf32, #tpu.memory_space<vmem_shared>>
      tpu.wait_dma2 semaphore(%run_scoped3A : memref<!tpu.dma_semaphore, #tpu.memory_space<semaphore_mem>>) src(%arg17 : memref<128x128xf32, #tpu.memory_space<vmem>>) dst(%dma_wait3A_39 : memref<128x128xf32, #tpu.memory_space<vmem_shared>>)
      tpu.yield
    }) : () -> ()
    %barrier3A = arith.constant 0 : index
    tpu.barrier barrier_id(%barrier3A)
    %scan3A_19 = arith.constant 0 : i32
    %scan3A_20 = arith.constant 10 : i32
    %scan3A_21 = arith.addi %scan3A_19, %scan3A_20 : i32
    %scan3A_22 = arith.constant 1 : i32
    scf.for %scan3A_34 = %scan3A_19 to %scan3A_21 step %scan3A_22  : i32 {
      %mul3A_35 = arith.constant 160 : i32
      %mul3A_36 = arith.muli %arg1, %mul3A_35 : i32
      %mul3A_37 = arith.constant 16 : i32
      %mul3A_38 = arith.muli %scan3A_34, %mul3A_37 : i32
      %add3A_39 = arith.addi %mul3A_36, %mul3A_38 : i32
      "tpu.region"() ({
        %run_scoped3A = tpu.sem_alloc : memref<!tpu.dma_semaphore, #tpu.memory_space<semaphore_mem>>
        %dma_start3A = arith.constant 0 : i32
        %dma_start3A_45 = tpu.memref_slice %arg2[%add3A_39, %dma_start3A] : memref<2560x128xf32, #tpu.memory_space<hbm>> -> memref<16x128xf32, #tpu.memory_space<hbm>>
        %dma_start3A_46 = arith.constant 0 : i32
        %dma_start3A_47 = tpu.memref_slice %arg2[%add3A_39, %dma_start3A_46] : memref<2560x128xf32, #tpu.memory_space<hbm>> -> memref<16x128xf32, #tpu.memory_space<hbm>>
        tpu.enqueue_dma source(%dma_start3A_47 : memref<16x128xf32, #tpu.memory_space<hbm>>) target(%arg10 : memref<16x128xf32, #tpu.memory_space<vmem>>) target_semaphore(%run_scoped3A : memref<!tpu.dma_semaphore, #tpu.memory_space<semaphore_mem>>)
        %dma_wait3A = arith.constant 0 : i32
        %dma_wait3A_48 = tpu.memref_slice %arg2[%add3A_39, %dma_wait3A] : memref<2560x128xf32, #tpu.memory_space<hbm>> -> memref<16x128xf32, #tpu.memory_space<hbm>>
        %dma_wait3A_49 = arith.constant 0 : i32
        %dma_wait3A_50 = tpu.memref_slice %arg2[%add3A_39, %dma_wait3A_49] : memref<2560x128xf32, #tpu.memory_space<hbm>> -> memref<16x128xf32, #tpu.memory_space<hbm>>
        tpu.wait_dma2 semaphore(%run_scoped3A : memref<!tpu.dma_semaphore, #tpu.memory_space<semaphore_mem>>) src(%dma_wait3A_50 : memref<16x128xf32, #tpu.memory_space<hbm>>) dst(%arg10 : memref<16x128xf32, #tpu.memory_space<vmem>>)
        tpu.yield
      }) : () -> ()
      "tpu.region"() ({
        %run_scoped3A = tpu.sem_alloc : memref<!tpu.dma_semaphore, #tpu.memory_space<semaphore_mem>>
        %dma_start3A = arith.constant 0 : i32
        %dma_start3A_45 = tpu.memref_slice %arg5[%add3A_39, %dma_start3A] : memref<2560x128xi32, #tpu.memory_space<hbm>> -> memref<16x128xi32, #tpu.memory_space<hbm>>
        %dma_start3A_46 = arith.constant 0 : i32
        %dma_start3A_47 = tpu.memref_slice %arg5[%add3A_39, %dma_start3A_46] : memref<2560x128xi32, #tpu.memory_space<hbm>> -> memref<16x128xi32, #tpu.memory_space<hbm>>
        tpu.enqueue_dma source(%dma_start3A_47 : memref<16x128xi32, #tpu.memory_space<hbm>>) target(%arg11 : memref<16x128xi32, #tpu.memory_space<vmem>>) target_semaphore(%run_scoped3A : memref<!tpu.dma_semaphore, #tpu.memory_space<semaphore_mem>>)
        %dma_wait3A = arith.constant 0 : i32
        %dma_wait3A_48 = tpu.memref_slice %arg5[%add3A_39, %dma_wait3A] : memref<2560x128xi32, #tpu.memory_space<hbm>> -> memref<16x128xi32, #tpu.memory_space<hbm>>
        %dma_wait3A_49 = arith.constant 0 : i32
        %dma_wait3A_50 = tpu.memref_slice %arg5[%add3A_39, %dma_wait3A_49] : memref<2560x128xi32, #tpu.memory_space<hbm>> -> memref<16x128xi32, #tpu.memory_space<hbm>>
        tpu.wait_dma2 semaphore(%run_scoped3A : memref<!tpu.dma_semaphore, #tpu.memory_space<semaphore_mem>>) src(%dma_wait3A_50 : memref<16x128xi32, #tpu.memory_space<hbm>>) dst(%arg11 : memref<16x128xi32, #tpu.memory_space<vmem>>)
        tpu.yield
      }) : () -> ()
      %scan3A_40 = arith.constant 0 : i32
      %scan3A_41 = arith.constant 16 : i32
      %scan3A_42 = arith.addi %scan3A_40, %scan3A_41 : i32
      %scan3A_43 = arith.constant 1 : i32
      scf.for %scan3A_45 = %scan3A_40 to %scan3A_42 step %scan3A_43  : i32 {
        "tpu.region"() ({
          %run_scoped3A = tpu.sem_alloc : memref<!tpu.dma_semaphore, #tpu.memory_space<semaphore_mem>>
          %dma_start3A = arith.constant 0 : i32
          %dma_start3A_46 = tpu.memref_slice %arg10[%scan3A_45, %dma_start3A] : memref<16x128xf32, #tpu.memory_space<vmem>> -> memref<1x128xf32, #tpu.memory_space<vmem>>
          %dma_start3A_47 = tpu.memref_squeeze %dma_start3A_46 : memref<1x128xf32, #tpu.memory_space<vmem>> -> memref<128xf32, #tpu.memory_space<vmem>>
          %dma_start3A_48 = arith.constant 0 : i32
          %dma_start3A_49 = tpu.memref_slice %arg11[%scan3A_45, %dma_start3A_48] : memref<16x128xi32, #tpu.memory_space<vmem>> -> memref<1x128xi32, #tpu.memory_space<vmem>>
          %dma_start3A_50 = tpu.memref_squeeze %dma_start3A_49 : memref<1x128xi32, #tpu.memory_space<vmem>> -> memref<128xi32, #tpu.memory_space<vmem>>
          %dma_start3A_51 = arith.constant 0 : i32
          %dma_start3A_52 = tpu.memref_slice %arg20[%dma_start3A_51] : memref<10240xf32, #tpu.memory_space<vmem_shared>> -> memref<10240xf32, #tpu.memory_space<vmem_shared>>
          tpu.enqueue_indirect_dma source(%dma_start3A_47 : memref<128xf32, #tpu.memory_space<vmem>>) target(%dma_start3A_52 : memref<10240xf32, #tpu.memory_space<vmem_shared>>) offsets(%dma_start3A_50 : memref<128xi32, #tpu.memory_space<vmem>>) semaphore(%run_scoped3A : memref<!tpu.dma_semaphore, #tpu.memory_space<semaphore_mem>>) {add = true}
          %dma_wait3A = arith.constant 0 : i32
          %dma_wait3A_53 = tpu.memref_slice %arg10[%scan3A_45, %dma_wait3A] : memref<16x128xf32, #tpu.memory_space<vmem>> -> memref<1x128xf32, #tpu.memory_space<vmem>>
          %dma_wait3A_54 = tpu.memref_squeeze %dma_wait3A_53 : memref<1x128xf32, #tpu.memory_space<vmem>> -> memref<128xf32, #tpu.memory_space<vmem>>
          %dma_wait3A_55 = arith.constant 0 : i32
          %dma_wait3A_56 = tpu.memref_slice %arg11[%scan3A_45, %dma_wait3A_55] : memref<16x128xi32, #tpu.memory_space<vmem>> -> memref<1x128xi32, #tpu.memory_space<vmem>>
          %dma_wait3A_57 = tpu.memref_squeeze %dma_wait3A_56 : memref<1x128xi32, #tpu.memory_space<vmem>> -> memref<128xi32, #tpu.memory_space<vmem>>
          %dma_wait3A_58 = arith.constant 0 : i32
          %dma_wait3A_59 = tpu.memref_slice %arg20[%dma_wait3A_58] : memref<10240xf32, #tpu.memory_space<vmem_shared>> -> memref<10240xf32, #tpu.memory_space<vmem_shared>>
          tpu.wait_indirect_dma semaphore(%run_scoped3A : memref<!tpu.dma_semaphore, #tpu.memory_space<semaphore_mem>>) src(%dma_wait3A_54 : memref<128xf32, #tpu.memory_space<vmem>>) dst(%dma_wait3A_59 : memref<10240xf32, #tpu.memory_space<vmem_shared>>)
          tpu.yield
        }) : () -> ()
      }
      %scan3A_44 = arith.constant 16 : i32
    }
    %scan3A_23 = arith.constant 10 : i32
    %barrier3A_24 = arith.constant 0 : index
    tpu.barrier barrier_id(%barrier3A_24)
    "tpu.region"() ({
      %run_scoped3A = tpu.sem_alloc : memref<!tpu.dma_semaphore, #tpu.memory_space<semaphore_mem>>
      tpu.enqueue_dma source(%arg20 : memref<10240xf32, #tpu.memory_space<vmem_shared>>) target(%arg19 : memref<10240xf32, #tpu.memory_space<vmem>>) target_semaphore(%run_scoped3A : memref<!tpu.dma_semaphore, #tpu.memory_space<semaphore_mem>>)
      tpu.wait_dma2 semaphore(%run_scoped3A : memref<!tpu.dma_semaphore, #tpu.memory_space<semaphore_mem>>) src(%arg20 : memref<10240xf32, #tpu.memory_space<vmem_shared>>) dst(%arg19 : memref<10240xf32, #tpu.memory_space<vmem>>)
      tpu.yield
    }) : () -> ()
    %mul3A_25 = arith.constant 16 : i32
    %mul3A_26 = arith.muli %arg0, %mul3A_25 : i32
    %add3A_27 = arith.addi %mul3A_26, %arg1 : i32
    %scan3A_28 = arith.constant 0 : i32
    %scan3A_29 = arith.constant 5 : i32
    %scan3A_30 = arith.addi %scan3A_28, %scan3A_29 : i32
    %scan3A_31 = arith.constant 1 : i32
    scf.for %scan3A_34 = %scan3A_28 to %scan3A_30 step %scan3A_31  : i32 {
      %mul3A_35 = arith.constant 80 : i32
      %mul3A_36 = arith.muli %add3A_27, %mul3A_35 : i32
      %mul3A_37 = arith.constant 16 : i32
      %mul3A_38 = arith.muli %scan3A_34, %mul3A_37 : i32
      %add3A_39 = arith.addi %mul3A_36, %mul3A_38 : i32
      "tpu.region"() ({
        %run_scoped3A = tpu.sem_alloc : memref<!tpu.dma_semaphore, #tpu.memory_space<semaphore_mem>>
        %dma_start3A = arith.constant 0 : i32
        %dma_start3A_50 = tpu.memref_slice %arg4[%add3A_39, %dma_start3A] : memref<2560x128xi32, #tpu.memory_space<hbm>> -> memref<16x128xi32, #tpu.memory_space<hbm>>
        %dma_start3A_51 = arith.constant 0 : i32
        %dma_start3A_52 = tpu.memref_slice %arg4[%add3A_39, %dma_start3A_51] : memref<2560x128xi32, #tpu.memory_space<hbm>> -> memref<16x128xi32, #tpu.memory_space<hbm>>
        tpu.enqueue_dma source(%dma_start3A_52 : memref<16x128xi32, #tpu.memory_space<hbm>>) target(%arg12 : memref<16x128xi32, #tpu.memory_space<vmem>>) target_semaphore(%run_scoped3A : memref<!tpu.dma_semaphore, #tpu.memory_space<semaphore_mem>>)
        %dma_wait3A = arith.constant 0 : i32
        %dma_wait3A_53 = tpu.memref_slice %arg4[%add3A_39, %dma_wait3A] : memref<2560x128xi32, #tpu.memory_space<hbm>> -> memref<16x128xi32, #tpu.memory_space<hbm>>
        %dma_wait3A_54 = arith.constant 0 : i32
        %dma_wait3A_55 = tpu.memref_slice %arg4[%add3A_39, %dma_wait3A_54] : memref<2560x128xi32, #tpu.memory_space<hbm>> -> memref<16x128xi32, #tpu.memory_space<hbm>>
        tpu.wait_dma2 semaphore(%run_scoped3A : memref<!tpu.dma_semaphore, #tpu.memory_space<semaphore_mem>>) src(%dma_wait3A_55 : memref<16x128xi32, #tpu.memory_space<hbm>>) dst(%arg12 : memref<16x128xi32, #tpu.memory_space<vmem>>)
        tpu.yield
      }) : () -> ()
      "tpu.region"() ({
        %run_scoped3A = tpu.sem_alloc : memref<!tpu.dma_semaphore, #tpu.memory_space<semaphore_mem>>
        %dma_start3A = arith.constant 0 : i32
        %dma_start3A_50 = tpu.memref_slice %arg5[%add3A_39, %dma_start3A] : memref<2560x128xi32, #tpu.memory_space<hbm>> -> memref<16x128xi32, #tpu.memory_space<hbm>>
        %dma_start3A_51 = arith.constant 0 : i32
        %dma_start3A_52 = tpu.memref_slice %arg5[%add3A_39, %dma_start3A_51] : memref<2560x128xi32, #tpu.memory_space<hbm>> -> memref<16x128xi32, #tpu.memory_space<hbm>>
        tpu.enqueue_dma source(%dma_start3A_52 : memref<16x128xi32, #tpu.memory_space<hbm>>) target(%arg13 : memref<16x128xi32, #tpu.memory_space<vmem>>) target_semaphore(%run_scoped3A : memref<!tpu.dma_semaphore, #tpu.memory_space<semaphore_mem>>)
        %dma_wait3A = arith.constant 0 : i32
        %dma_wait3A_53 = tpu.memref_slice %arg5[%add3A_39, %dma_wait3A] : memref<2560x128xi32, #tpu.memory_space<hbm>> -> memref<16x128xi32, #tpu.memory_space<hbm>>
        %dma_wait3A_54 = arith.constant 0 : i32
        %dma_wait3A_55 = tpu.memref_slice %arg5[%add3A_39, %dma_wait3A_54] : memref<2560x128xi32, #tpu.memory_space<hbm>> -> memref<16x128xi32, #tpu.memory_space<hbm>>
        tpu.wait_dma2 semaphore(%run_scoped3A : memref<!tpu.dma_semaphore, #tpu.memory_space<semaphore_mem>>) src(%dma_wait3A_55 : memref<16x128xi32, #tpu.memory_space<hbm>>) dst(%arg13 : memref<16x128xi32, #tpu.memory_space<vmem>>)
        tpu.yield
      }) : () -> ()
      "tpu.region"() ({
        %run_scoped3A = tpu.sem_alloc : memref<!tpu.dma_semaphore, #tpu.memory_space<semaphore_mem>>
        %dma_start3A = arith.constant 0 : i32
        %dma_start3A_50 = tpu.memref_slice %arg3[%add3A_39, %dma_start3A] : memref<2560x128xf32, #tpu.memory_space<hbm>> -> memref<16x128xf32, #tpu.memory_space<hbm>>
        %dma_start3A_51 = arith.constant 0 : i32
        %dma_start3A_52 = tpu.memref_slice %arg3[%add3A_39, %dma_start3A_51] : memref<2560x128xf32, #tpu.memory_space<hbm>> -> memref<16x128xf32, #tpu.memory_space<hbm>>
        tpu.enqueue_dma source(%dma_start3A_52 : memref<16x128xf32, #tpu.memory_space<hbm>>) target(%arg14 : memref<16x128xf32, #tpu.memory_space<vmem>>) target_semaphore(%run_scoped3A : memref<!tpu.dma_semaphore, #tpu.memory_space<semaphore_mem>>)
        %dma_wait3A = arith.constant 0 : i32
        %dma_wait3A_53 = tpu.memref_slice %arg3[%add3A_39, %dma_wait3A] : memref<2560x128xf32, #tpu.memory_space<hbm>> -> memref<16x128xf32, #tpu.memory_space<hbm>>
        %dma_wait3A_54 = arith.constant 0 : i32
        %dma_wait3A_55 = tpu.memref_slice %arg3[%add3A_39, %dma_wait3A_54] : memref<2560x128xf32, #tpu.memory_space<hbm>> -> memref<16x128xf32, #tpu.memory_space<hbm>>
        tpu.wait_dma2 semaphore(%run_scoped3A : memref<!tpu.dma_semaphore, #tpu.memory_space<semaphore_mem>>) src(%dma_wait3A_55 : memref<16x128xf32, #tpu.memory_space<hbm>>) dst(%arg14 : memref<16x128xf32, #tpu.memory_space<vmem>>)
        tpu.yield
      }) : () -> ()
      %scan3A_40 = arith.constant 0 : i32
      %scan3A_41 = arith.constant 128 : i32
      %scan3A_42 = arith.addi %scan3A_40, %scan3A_41 : i32
      %scan3A_43 = arith.constant 1 : i32
      scf.for %scan3A_50 = %scan3A_40 to %scan3A_42 step %scan3A_43  : i32 {
        %shift_right_arithmetic3A = arith.constant 3 : i32
        %shift_right_arithmetic3A_51 = arith.shrsi %scan3A_50, %shift_right_arithmetic3A : i32
        %and3A = arith.constant 7 : i32
        %and3A_52 = arith.andi %scan3A_50, %and3A : i32
        %mul3A_53 = arith.constant 16 : i32
        %mul3A_54 = arith.muli %and3A_52, %mul3A_53 : i32
        %get3A = arith.index_cast %shift_right_arithmetic3A_51 : i32 to index
        %get3A_55 = arith.index_cast %mul3A_54 : i32 to index
        %get3A_56 = tpu.vector_load %arg14[%get3A, %get3A_55] {strides = array<i32>} : memref<16x128xf32, #tpu.memory_space<vmem>>, vector<16xf32>,
        %get3A_57 = arith.index_cast %shift_right_arithmetic3A_51 : i32 to index
        %get3A_58 = arith.index_cast %mul3A_54 : i32 to index
        %get3A_59 = tpu.vector_load %arg13[%get3A_57, %get3A_58] {strides = array<i32>} : memref<16x128xi32, #tpu.memory_space<vmem>>, vector<16xi32>,
        %gather3A = tpu.vector_load_idx %arg19[%get3A_59] : memref<10240xf32, #tpu.memory_space<vmem>>[vector<16xi32>], vector<16xf32>,
        %max3A = arith.constant 9.99999996E-13 : f32
        %max3A_60 = vector.broadcast %max3A : f32 to vector<16xf32>
        %max3A_61 = arith.maximumf %gather3A, %max3A_60 : vector<16xf32>
        %div3A = arith.divf %get3A_56, %max3A_61 : vector<16xf32>
        %neg3A = arith.constant 0.000000e+00 : f32
        %neg3A_62 = vector.broadcast %neg3A : f32 to vector<16xf32>
        %neg3A_63 = arith.subf %neg3A_62, %div3A : vector<16xf32>
        %exp3A = math.exp %neg3A_63 : vector<16xf32>
        %ge3A = arith.constant 0.000000e+00 : f32
        %ge3A_64 = vector.broadcast %ge3A : f32 to vector<16xf32>
        %ge3A_65 = arith.cmpf oge, %get3A_56, %ge3A_64 : vector<16xf32>
        %jit3A = arith.constant 0.000000e+00 : f32
        %broadcast_in_dim3A = vector.broadcast %jit3A : f32 to vector<16xf32>
        %select_n3A = arith.select %ge3A_65, %exp3A, %broadcast_in_dim3A : vector<16xi1>, vector<16xf32>
        %swap3A = arith.index_cast %shift_right_arithmetic3A_51 : i32 to index
        %swap3A_66 = arith.index_cast %mul3A_54 : i32 to index
        %swap3A_67 = tpu.vector_load %arg15[%swap3A, %swap3A_66] {strides = array<i32>} : memref<16x128xf32, #tpu.memory_space<vmem>>, vector<16xf32>,
        tpu.vector_store %arg15[%swap3A, %swap3A_66], %select_n3A {strides = array<i32>} : memref<16x128xf32, #tpu.memory_space<vmem>>, vector<16xf32>,
        %jit3A_68 = arith.constant 1.000000e+00 : f32
        %jit3A_69 = arith.constant 0.000000e+00 : f32
        %broadcast_in_dim3A_70 = vector.broadcast %jit3A_68 : f32 to vector<16xf32>
        %broadcast_in_dim3A_71 = vector.broadcast %jit3A_69 : f32 to vector<16xf32>
        %select_n3A_72 = arith.select %ge3A_65, %broadcast_in_dim3A_70, %broadcast_in_dim3A_71 : vector<16xi1>, vector<16xf32>
        %swap3A_73 = arith.index_cast %shift_right_arithmetic3A_51 : i32 to index
        %swap3A_74 = arith.index_cast %mul3A_54 : i32 to index
        %swap3A_75 = tpu.vector_load %arg16[%swap3A_73, %swap3A_74] {strides = array<i32>} : memref<16x128xf32, #tpu.memory_space<vmem>>, vector<16xf32>,
        tpu.vector_store %arg16[%swap3A_73, %swap3A_74], %select_n3A_72 {strides = array<i32>} : memref<16x128xf32, #tpu.memory_space<vmem>>, vector<16xf32>,
      }
      %scan3A_44 = arith.constant 128 : i32
      %scan3A_45 = arith.constant 0 : i32
      %scan3A_46 = arith.constant 16 : i32
      %scan3A_47 = arith.addi %scan3A_45, %scan3A_46 : i32
      %scan3A_48 = arith.constant 1 : i32
      scf.for %scan3A_50 = %scan3A_45 to %scan3A_47 step %scan3A_48  : i32 {
        %dma_start3A = arith.constant 0 : i32
        %dma_start3A_51 = tpu.memref_slice %arg12[%scan3A_50, %dma_start3A] : memref<16x128xi32, #tpu.memory_space<vmem>> -> memref<1x128xi32, #tpu.memory_space<vmem>>
        %dma_start3A_52 = tpu.memref_squeeze %dma_start3A_51 : memref<1x128xi32, #tpu.memory_space<vmem>> -> memref<128xi32, #tpu.memory_space<vmem>>
        %dma_start3A_53 = arith.constant 0 : i32
        %dma_start3A_54 = arith.constant 0 : i32
        %dma_start3A_55 = tpu.memref_slice %arg6[%dma_start3A_53, %dma_start3A_54] : memref<10000x128xf32, #tpu.memory_space<hbm>> -> memref<10000x128xf32, #tpu.memory_space<hbm>>
        tpu.enqueue_indirect_dma source(%dma_start3A_55 : memref<10000x128xf32, #tpu.memory_space<hbm>>) target(%arg17 : memref<128x128xf32, #tpu.memory_space<vmem>>) offsets(%dma_start3A_52 : memref<128xi32, #tpu.memory_space<vmem>>) semaphore(%arg24 : memref<!tpu.dma_semaphore, #tpu.memory_space<semaphore_mem>>)
        %dma_wait3A = arith.constant 0 : i32
        %dma_wait3A_56 = tpu.memref_slice %arg12[%scan3A_50, %dma_wait3A] : memref<16x128xi32, #tpu.memory_space<vmem>> -> memref<1x128xi32, #tpu.memory_space<vmem>>
        %dma_wait3A_57 = tpu.memref_squeeze %dma_wait3A_56 : memref<1x128xi32, #tpu.memory_space<vmem>> -> memref<128xi32, #tpu.memory_space<vmem>>
        %dma_wait3A_58 = arith.constant 0 : i32
        %dma_wait3A_59 = arith.constant 0 : i32
        %dma_wait3A_60 = tpu.memref_slice %arg6[%dma_wait3A_58, %dma_wait3A_59] : memref<10000x128xf32, #tpu.memory_space<hbm>> -> memref<10000x128xf32, #tpu.memory_space<hbm>>
        tpu.wait_indirect_dma semaphore(%arg24 : memref<!tpu.dma_semaphore, #tpu.memory_space<semaphore_mem>>) src(%dma_wait3A_60 : memref<10000x128xf32, #tpu.memory_space<hbm>>) dst(%arg17 : memref<128x128xf32, #tpu.memory_space<vmem>>)
        %scan3A_61 = arith.constant 0 : i32
        %scan3A_62 = arith.constant 128 : i32
        %scan3A_63 = arith.addi %scan3A_61, %scan3A_62 : i32
        %scan3A_64 = arith.constant 1 : i32
        scf.for %scan3A_66 = %scan3A_61 to %scan3A_63 step %scan3A_64  : i32 {
          %broadcast_in_dim3A = vector.broadcast %scan3A_50 : i32 to vector<16xi32>
          %broadcast_in_dim3A_67 = vector.broadcast %scan3A_66 : i32 to vector<16xi32>
          %gather3A = tpu.vector_load_idx %arg15[%broadcast_in_dim3A, %broadcast_in_dim3A_67] : memref<16x128xf32, #tpu.memory_space<vmem>>[vector<16xi32>, vector<16xi32>], vector<16xf32>,
          %get3A = arith.index_cast %scan3A_66 : i32 to index
          %get3A_68 = arith.constant 0 : index
          %get3A_69 = tpu.vector_load %arg17[%get3A, %get3A_68] {strides = array<i32>} : memref<128x128xf32, #tpu.memory_space<vmem>>, vector<16xf32>,
          %mul3A_70 = arith.mulf %get3A_69, %gather3A : vector<16xf32>
          %swap3A = arith.index_cast %scan3A_66 : i32 to index
          %swap3A_71 = arith.constant 0 : index
          %swap3A_72 = tpu.vector_load %arg17[%swap3A, %swap3A_71] {strides = array<i32>} : memref<128x128xf32, #tpu.memory_space<vmem>>, vector<16xf32>,
          tpu.vector_store %arg17[%swap3A, %swap3A_71], %mul3A_70 {strides = array<i32>} : memref<128x128xf32, #tpu.memory_space<vmem>>, vector<16xf32>,
          %get3A_73 = arith.index_cast %scan3A_66 : i32 to index
          %get3A_74 = arith.constant 16 : index
          %get3A_75 = tpu.vector_load %arg17[%get3A_73, %get3A_74] {strides = array<i32>} : memref<128x128xf32, #tpu.memory_space<vmem>>, vector<16xf32>,
          %mul3A_76 = arith.mulf %get3A_75, %gather3A : vector<16xf32>
          %swap3A_77 = arith.index_cast %scan3A_66 : i32 to index
          %swap3A_78 = arith.constant 16 : index
          %swap3A_79 = tpu.vector_load %arg17[%swap3A_77, %swap3A_78] {strides = array<i32>} : memref<128x128xf32, #tpu.memory_space<vmem>>, vector<16xf32>,
          tpu.vector_store %arg17[%swap3A_77, %swap3A_78], %mul3A_76 {strides = array<i32>} : memref<128x128xf32, #tpu.memory_space<vmem>>, vector<16xf32>,
          %get3A_80 = arith.index_cast %scan3A_66 : i32 to index
          %get3A_81 = arith.constant 32 : index
          %get3A_82 = tpu.vector_load %arg17[%get3A_80, %get3A_81] {strides = array<i32>} : memref<128x128xf32, #tpu.memory_space<vmem>>, vector<16xf32>,
          %mul3A_83 = arith.mulf %get3A_82, %gather3A : vector<16xf32>
          %swap3A_84 = arith.index_cast %scan3A_66 : i32 to index
          %swap3A_85 = arith.constant 32 : index
          %swap3A_86 = tpu.vector_load %arg17[%swap3A_84, %swap3A_85] {strides = array<i32>} : memref<128x128xf32, #tpu.memory_space<vmem>>, vector<16xf32>,
          tpu.vector_store %arg17[%swap3A_84, %swap3A_85], %mul3A_83 {strides = array<i32>} : memref<128x128xf32, #tpu.memory_space<vmem>>, vector<16xf32>,
          %get3A_87 = arith.index_cast %scan3A_66 : i32 to index
          %get3A_88 = arith.constant 48 : index
          %get3A_89 = tpu.vector_load %arg17[%get3A_87, %get3A_88] {strides = array<i32>} : memref<128x128xf32, #tpu.memory_space<vmem>>, vector<16xf32>,
          %mul3A_90 = arith.mulf %get3A_89, %gather3A : vector<16xf32>
          %swap3A_91 = arith.index_cast %scan3A_66 : i32 to index
          %swap3A_92 = arith.constant 48 : index
          %swap3A_93 = tpu.vector_load %arg17[%swap3A_91, %swap3A_92] {strides = array<i32>} : memref<128x128xf32, #tpu.memory_space<vmem>>, vector<16xf32>,
          tpu.vector_store %arg17[%swap3A_91, %swap3A_92], %mul3A_90 {strides = array<i32>} : memref<128x128xf32, #tpu.memory_space<vmem>>, vector<16xf32>,
          %get3A_94 = arith.index_cast %scan3A_66 : i32 to index
          %get3A_95 = arith.constant 64 : index
          %get3A_96 = tpu.vector_load %arg17[%get3A_94, %get3A_95] {strides = array<i32>} : memref<128x128xf32, #tpu.memory_space<vmem>>, vector<16xf32>,
          %mul3A_97 = arith.mulf %get3A_96, %gather3A : vector<16xf32>
          %swap3A_98 = arith.index_cast %scan3A_66 : i32 to index
          %swap3A_99 = arith.constant 64 : index
          %swap3A_100 = tpu.vector_load %arg17[%swap3A_98, %swap3A_99] {strides = array<i32>} : memref<128x128xf32, #tpu.memory_space<vmem>>, vector<16xf32>,
          tpu.vector_store %arg17[%swap3A_98, %swap3A_99], %mul3A_97 {strides = array<i32>} : memref<128x128xf32, #tpu.memory_space<vmem>>, vector<16xf32>,
          %get3A_101 = arith.index_cast %scan3A_66 : i32 to index
          %get3A_102 = arith.constant 80 : index
          %get3A_103 = tpu.vector_load %arg17[%get3A_101, %get3A_102] {strides = array<i32>} : memref<128x128xf32, #tpu.memory_space<vmem>>, vector<16xf32>,
          %mul3A_104 = arith.mulf %get3A_103, %gather3A : vector<16xf32>
          %swap3A_105 = arith.index_cast %scan3A_66 : i32 to index
          %swap3A_106 = arith.constant 80 : index
          %swap3A_107 = tpu.vector_load %arg17[%swap3A_105, %swap3A_106] {strides = array<i32>} : memref<128x128xf32, #tpu.memory_space<vmem>>, vector<16xf32>,
          tpu.vector_store %arg17[%swap3A_105, %swap3A_106], %mul3A_104 {strides = array<i32>} : memref<128x128xf32, #tpu.memory_space<vmem>>, vector<16xf32>,
          %get3A_108 = arith.index_cast %scan3A_66 : i32 to index
          %get3A_109 = arith.constant 96 : index
          %get3A_110 = tpu.vector_load %arg17[%get3A_108, %get3A_109] {strides = array<i32>} : memref<128x128xf32, #tpu.memory_space<vmem>>, vector<16xf32>,
          %mul3A_111 = arith.mulf %get3A_110, %gather3A : vector<16xf32>
          %swap3A_112 = arith.index_cast %scan3A_66 : i32 to index
          %swap3A_113 = arith.constant 96 : index
          %swap3A_114 = tpu.vector_load %arg17[%swap3A_112, %swap3A_113] {strides = array<i32>} : memref<128x128xf32, #tpu.memory_space<vmem>>, vector<16xf32>,
          tpu.vector_store %arg17[%swap3A_112, %swap3A_113], %mul3A_111 {strides = array<i32>} : memref<128x128xf32, #tpu.memory_space<vmem>>, vector<16xf32>,
          %get3A_115 = arith.index_cast %scan3A_66 : i32 to index
          %get3A_116 = arith.constant 112 : index
          %get3A_117 = tpu.vector_load %arg17[%get3A_115, %get3A_116] {strides = array<i32>} : memref<128x128xf32, #tpu.memory_space<vmem>>, vector<16xf32>,
          %mul3A_118 = arith.mulf %get3A_117, %gather3A : vector<16xf32>
          %swap3A_119 = arith.index_cast %scan3A_66 : i32 to index
          %swap3A_120 = arith.constant 112 : index
          %swap3A_121 = tpu.vector_load %arg17[%swap3A_119, %swap3A_120] {strides = array<i32>} : memref<128x128xf32, #tpu.memory_space<vmem>>, vector<16xf32>,
          tpu.vector_store %arg17[%swap3A_119, %swap3A_120], %mul3A_118 {strides = array<i32>} : memref<128x128xf32, #tpu.memory_space<vmem>>, vector<16xf32>,
        }
        %scan3A_65 = arith.constant 128 : i32
        "tpu.region"() ({
          %run_scoped3A = tpu.sem_alloc : memref<!tpu.dma_semaphore, #tpu.memory_space<semaphore_mem>>
          %dma_start3A_66 = arith.constant 0 : i32
          %dma_start3A_67 = tpu.memref_slice %arg13[%scan3A_50, %dma_start3A_66] : memref<16x128xi32, #tpu.memory_space<vmem>> -> memref<1x128xi32, #tpu.memory_space<vmem>>
          %dma_start3A_68 = tpu.memref_squeeze %dma_start3A_67 : memref<1x128xi32, #tpu.memory_space<vmem>> -> memref<128xi32, #tpu.memory_space<vmem>>
          %dma_start3A_69 = arith.constant 0 : i32
          %dma_start3A_70 = arith.constant 0 : i32
          %dma_start3A_71 = tpu.memref_slice %arg23[%dma_start3A_69, %dma_start3A_70] : memref<10240x128xf32, #tpu.memory_space<vmem_shared>> -> memref<10240x128xf32, #tpu.memory_space<vmem_shared>>
          tpu.enqueue_indirect_dma source(%arg17 : memref<128x128xf32, #tpu.memory_space<vmem>>) target(%dma_start3A_71 : memref<10240x128xf32, #tpu.memory_space<vmem_shared>>) offsets(%dma_start3A_68 : memref<128xi32, #tpu.memory_space<vmem>>) semaphore(%run_scoped3A : memref<!tpu.dma_semaphore, #tpu.memory_space<semaphore_mem>>) {add = true}
          %dma_wait3A_72 = arith.constant 0 : i32
          %dma_wait3A_73 = tpu.memref_slice %arg13[%scan3A_50, %dma_wait3A_72] : memref<16x128xi32, #tpu.memory_space<vmem>> -> memref<1x128xi32, #tpu.memory_space<vmem>>
          %dma_wait3A_74 = tpu.memref_squeeze %dma_wait3A_73 : memref<1x128xi32, #tpu.memory_space<vmem>> -> memref<128xi32, #tpu.memory_space<vmem>>
          %dma_wait3A_75 = arith.constant 0 : i32
          %dma_wait3A_76 = arith.constant 0 : i32
          %dma_wait3A_77 = tpu.memref_slice %arg23[%dma_wait3A_75, %dma_wait3A_76] : memref<10240x128xf32, #tpu.memory_space<vmem_shared>> -> memref<10240x128xf32, #tpu.memory_space<vmem_shared>>
          tpu.wait_indirect_dma semaphore(%run_scoped3A : memref<!tpu.dma_semaphore, #tpu.memory_space<semaphore_mem>>) src(%arg17 : memref<128x128xf32, #tpu.memory_space<vmem>>) dst(%dma_wait3A_77 : memref<10240x128xf32, #tpu.memory_space<vmem_shared>>)
          tpu.yield
        }) : () -> ()
        "tpu.region"() ({
          %run_scoped3A = tpu.sem_alloc : memref<!tpu.dma_semaphore, #tpu.memory_space<semaphore_mem>>
          %dma_start3A_66 = arith.constant 0 : i32
          %dma_start3A_67 = tpu.memref_slice %arg15[%scan3A_50, %dma_start3A_66] : memref<16x128xf32, #tpu.memory_space<vmem>> -> memref<1x128xf32, #tpu.memory_space<vmem>>
          %dma_start3A_68 = tpu.memref_squeeze %dma_start3A_67 : memref<1x128xf32, #tpu.memory_space<vmem>> -> memref<128xf32, #tpu.memory_space<vmem>>
          %dma_start3A_69 = arith.constant 0 : i32
          %dma_start3A_70 = tpu.memref_slice %arg13[%scan3A_50, %dma_start3A_69] : memref<16x128xi32, #tpu.memory_space<vmem>> -> memref<1x128xi32, #tpu.memory_space<vmem>>
          %dma_start3A_71 = tpu.memref_squeeze %dma_start3A_70 : memref<1x128xi32, #tpu.memory_space<vmem>> -> memref<128xi32, #tpu.memory_space<vmem>>
          %dma_start3A_72 = arith.constant 0 : i32
          %dma_start3A_73 = tpu.memref_slice %arg21[%dma_start3A_72] : memref<10240xf32, #tpu.memory_space<vmem_shared>> -> memref<10240xf32, #tpu.memory_space<vmem_shared>>
          tpu.enqueue_indirect_dma source(%dma_start3A_68 : memref<128xf32, #tpu.memory_space<vmem>>) target(%dma_start3A_73 : memref<10240xf32, #tpu.memory_space<vmem_shared>>) offsets(%dma_start3A_71 : memref<128xi32, #tpu.memory_space<vmem>>) semaphore(%run_scoped3A : memref<!tpu.dma_semaphore, #tpu.memory_space<semaphore_mem>>) {add = true}
          %dma_wait3A_74 = arith.constant 0 : i32
          %dma_wait3A_75 = tpu.memref_slice %arg15[%scan3A_50, %dma_wait3A_74] : memref<16x128xf32, #tpu.memory_space<vmem>> -> memref<1x128xf32, #tpu.memory_space<vmem>>
          %dma_wait3A_76 = tpu.memref_squeeze %dma_wait3A_75 : memref<1x128xf32, #tpu.memory_space<vmem>> -> memref<128xf32, #tpu.memory_space<vmem>>
          %dma_wait3A_77 = arith.constant 0 : i32
          %dma_wait3A_78 = tpu.memref_slice %arg13[%scan3A_50, %dma_wait3A_77] : memref<16x128xi32, #tpu.memory_space<vmem>> -> memref<1x128xi32, #tpu.memory_space<vmem>>
          %dma_wait3A_79 = tpu.memref_squeeze %dma_wait3A_78 : memref<1x128xi32, #tpu.memory_space<vmem>> -> memref<128xi32, #tpu.memory_space<vmem>>
          %dma_wait3A_80 = arith.constant 0 : i32
          %dma_wait3A_81 = tpu.memref_slice %arg21[%dma_wait3A_80] : memref<10240xf32, #tpu.memory_space<vmem_shared>> -> memref<10240xf32, #tpu.memory_space<vmem_shared>>
          tpu.wait_indirect_dma semaphore(%run_scoped3A : memref<!tpu.dma_semaphore, #tpu.memory_space<semaphore_mem>>) src(%dma_wait3A_76 : memref<128xf32, #tpu.memory_space<vmem>>) dst(%dma_wait3A_81 : memref<10240xf32, #tpu.memory_space<vmem_shared>>)
          tpu.yield
        }) : () -> ()
        "tpu.region"() ({
          %run_scoped3A = tpu.sem_alloc : memref<!tpu.dma_semaphore, #tpu.memory_space<semaphore_mem>>
          %dma_start3A_66 = arith.constant 0 : i32
          %dma_start3A_67 = tpu.memref_slice %arg16[%scan3A_50, %dma_start3A_66] : memref<16x128xf32, #tpu.memory_space<vmem>> -> memref<1x128xf32, #tpu.memory_space<vmem>>
          %dma_start3A_68 = tpu.memref_squeeze %dma_start3A_67 : memref<1x128xf32, #tpu.memory_space<vmem>> -> memref<128xf32, #tpu.memory_space<vmem>>
          %dma_start3A_69 = arith.constant 0 : i32
          %dma_start3A_70 = tpu.memref_slice %arg13[%scan3A_50, %dma_start3A_69] : memref<16x128xi32, #tpu.memory_space<vmem>> -> memref<1x128xi32, #tpu.memory_space<vmem>>
          %dma_start3A_71 = tpu.memref_squeeze %dma_start3A_70 : memref<1x128xi32, #tpu.memory_space<vmem>> -> memref<128xi32, #tpu.memory_space<vmem>>
          %dma_start3A_72 = arith.constant 0 : i32
          %dma_start3A_73 = tpu.memref_slice %arg22[%dma_start3A_72] : memref<10240xf32, #tpu.memory_space<vmem_shared>> -> memref<10240xf32, #tpu.memory_space<vmem_shared>>
          tpu.enqueue_indirect_dma source(%dma_start3A_68 : memref<128xf32, #tpu.memory_space<vmem>>) target(%dma_start3A_73 : memref<10240xf32, #tpu.memory_space<vmem_shared>>) offsets(%dma_start3A_71 : memref<128xi32, #tpu.memory_space<vmem>>) semaphore(%run_scoped3A : memref<!tpu.dma_semaphore, #tpu.memory_space<semaphore_mem>>) {add = true}
          %dma_wait3A_74 = arith.constant 0 : i32
          %dma_wait3A_75 = tpu.memref_slice %arg16[%scan3A_50, %dma_wait3A_74] : memref<16x128xf32, #tpu.memory_space<vmem>> -> memref<1x128xf32, #tpu.memory_space<vmem>>
          %dma_wait3A_76 = tpu.memref_squeeze %dma_wait3A_75 : memref<1x128xf32, #tpu.memory_space<vmem>> -> memref<128xf32, #tpu.memory_space<vmem>>
          %dma_wait3A_77 = arith.constant 0 : i32
          %dma_wait3A_78 = tpu.memref_slice %arg13[%scan3A_50, %dma_wait3A_77] : memref<16x128xi32, #tpu.memory_space<vmem>> -> memref<1x128xi32, #tpu.memory_space<vmem>>
          %dma_wait3A_79 = tpu.memref_squeeze %dma_wait3A_78 : memref<1x128xi32, #tpu.memory_space<vmem>> -> memref<128xi32, #tpu.memory_space<vmem>>
          %dma_wait3A_80 = arith.constant 0 : i32
          %dma_wait3A_81 = tpu.memref_slice %arg22[%dma_wait3A_80] : memref<10240xf32, #tpu.memory_space<vmem_shared>> -> memref<10240xf32, #tpu.memory_space<vmem_shared>>
          tpu.wait_indirect_dma semaphore(%run_scoped3A : memref<!tpu.dma_semaphore, #tpu.memory_space<semaphore_mem>>) src(%dma_wait3A_76 : memref<128xf32, #tpu.memory_space<vmem>>) dst(%dma_wait3A_81 : memref<10240xf32, #tpu.memory_space<vmem_shared>>)
          tpu.yield
        }) : () -> ()
      }
      %scan3A_49 = arith.constant 16 : i32
    }
    %scan3A_32 = arith.constant 5 : i32
    %barrier3A_33 = arith.constant 0 : index
    tpu.barrier barrier_id(%barrier3A_33)
    "tpu.region"() ({
      %run_scoped3A = tpu.sem_alloc : memref<!tpu.dma_semaphore, #tpu.memory_space<semaphore_mem>>
      %dma_start3A = arith.constant 0 : i32
      %dma_start3A_34 = tpu.memref_slice %arg7[%arg0, %mul3A_0, %dma_start3A] : memref<2x10240x128xf32, #tpu.memory_space<hbm>> -> memref<1x640x128xf32, #tpu.memory_space<hbm>>
      %dma_start3A_35 = tpu.memref_squeeze %dma_start3A_34 : memref<1x640x128xf32, #tpu.memory_space<hbm>> -> memref<640x128xf32, #tpu.memory_space<hbm>>
      %dma_start3A_36 = arith.constant 0 : i32
      %dma_start3A_37 = tpu.memref_slice %arg23[%mul3A_0, %dma_start3A_36] : memref<10240x128xf32, #tpu.memory_space<vmem_shared>> -> memref<640x128xf32, #tpu.memory_space<vmem_shared>>
      tpu.enqueue_dma source(%dma_start3A_37 : memref<640x128xf32, #tpu.memory_space<vmem_shared>>) target(%dma_start3A_35 : memref<640x128xf32, #tpu.memory_space<hbm>>) target_semaphore(%run_scoped3A : memref<!tpu.dma_semaphore, #tpu.memory_space<semaphore_mem>>)
      %dma_wait3A = arith.constant 0 : i32
      %dma_wait3A_38 = tpu.memref_slice %arg7[%arg0, %mul3A_0, %dma_wait3A] : memref<2x10240x128xf32, #tpu.memory_space<hbm>> -> memref<1x640x128xf32, #tpu.memory_space<hbm>>
      %dma_wait3A_39 = tpu.memref_squeeze %dma_wait3A_38 : memref<1x640x128xf32, #tpu.memory_space<hbm>> -> memref<640x128xf32, #tpu.memory_space<hbm>>
      %dma_wait3A_40 = arith.constant 0 : i32
      %dma_wait3A_41 = tpu.memref_slice %arg23[%mul3A_0, %dma_wait3A_40] : memref<10240x128xf32, #tpu.memory_space<vmem_shared>> -> memref<640x128xf32, #tpu.memory_space<vmem_shared>>
      tpu.wait_dma2 semaphore(%run_scoped3A : memref<!tpu.dma_semaphore, #tpu.memory_space<semaphore_mem>>) src(%dma_wait3A_41 : memref<640x128xf32, #tpu.memory_space<vmem_shared>>) dst(%dma_wait3A_39 : memref<640x128xf32, #tpu.memory_space<hbm>>)
      tpu.yield
    }) : () -> ()
    "tpu.region"() ({
      %run_scoped3A = tpu.sem_alloc : memref<!tpu.dma_semaphore, #tpu.memory_space<semaphore_mem>>
      %dma_start3A = tpu.memref_slice %arg8[%arg0, %mul3A_0] : memref<2x10240xf32, #tpu.memory_space<hbm>> -> memref<1x640xf32, #tpu.memory_space<hbm>>
      %dma_start3A_34 = tpu.memref_squeeze %dma_start3A : memref<1x640xf32, #tpu.memory_space<hbm>> -> memref<640xf32, #tpu.memory_space<hbm>>
      %dma_start3A_35 = tpu.memref_slice %arg21[%mul3A_0] : memref<10240xf32, #tpu.memory_space<vmem_shared>> -> memref<640xf32, #tpu.memory_space<vmem_shared>>
      tpu.enqueue_dma source(%dma_start3A_35 : memref<640xf32, #tpu.memory_space<vmem_shared>>) target(%dma_start3A_34 : memref<640xf32, #tpu.memory_space<hbm>>) target_semaphore(%run_scoped3A : memref<!tpu.dma_semaphore, #tpu.memory_space<semaphore_mem>>)
      %dma_wait3A = tpu.memref_slice %arg8[%arg0, %mul3A_0] : memref<2x10240xf32, #tpu.memory_space<hbm>> -> memref<1x640xf32, #tpu.memory_space<hbm>>
      %dma_wait3A_36 = tpu.memref_squeeze %dma_wait3A : memref<1x640xf32, #tpu.memory_space<hbm>> -> memref<640xf32, #tpu.memory_space<hbm>>
      %dma_wait3A_37 = tpu.memref_slice %arg21[%mul3A_0] : memref<10240xf32, #tpu.memory_space<vmem_shared>> -> memref<640xf32, #tpu.memory_space<vmem_shared>>
      tpu.wait_dma2 semaphore(%run_scoped3A : memref<!tpu.dma_semaphore, #tpu.memory_space<semaphore_mem>>) src(%dma_wait3A_37 : memref<640xf32, #tpu.memory_space<vmem_shared>>) dst(%dma_wait3A_36 : memref<640xf32, #tpu.memory_space<hbm>>)
      tpu.yield
    }) : () -> ()
    "tpu.region"() ({
      %run_scoped3A = tpu.sem_alloc : memref<!tpu.dma_semaphore, #tpu.memory_space<semaphore_mem>>
      %dma_start3A = tpu.memref_slice %arg9[%arg0, %mul3A_0] : memref<2x10240xf32, #tpu.memory_space<hbm>> -> memref<1x640xf32, #tpu.memory_space<hbm>>
      %dma_start3A_34 = tpu.memref_squeeze %dma_start3A : memref<1x640xf32, #tpu.memory_space<hbm>> -> memref<640xf32, #tpu.memory_space<hbm>>
      %dma_start3A_35 = tpu.memref_slice %arg22[%mul3A_0] : memref<10240xf32, #tpu.memory_space<vmem_shared>> -> memref<640xf32, #tpu.memory_space<vmem_shared>>
      tpu.enqueue_dma source(%dma_start3A_35 : memref<640xf32, #tpu.memory_space<vmem_shared>>) target(%dma_start3A_34 : memref<640xf32, #tpu.memory_space<hbm>>) target_semaphore(%run_scoped3A : memref<!tpu.dma_semaphore, #tpu.memory_space<semaphore_mem>>)
      %dma_wait3A = tpu.memref_slice %arg9[%arg0, %mul3A_0] : memref<2x10240xf32, #tpu.memory_space<hbm>> -> memref<1x640xf32, #tpu.memory_space<hbm>>
      %dma_wait3A_36 = tpu.memref_squeeze %dma_wait3A : memref<1x640xf32, #tpu.memory_space<hbm>> -> memref<640xf32, #tpu.memory_space<hbm>>
      %dma_wait3A_37 = tpu.memref_slice %arg22[%mul3A_0] : memref<10240xf32, #tpu.memory_space<vmem_shared>> -> memref<640xf32, #tpu.memory_space<vmem_shared>>
      tpu.wait_dma2 semaphore(%run_scoped3A : memref<!tpu.dma_semaphore, #tpu.memory_space<semaphore_mem>>) src(%dma_wait3A_37 : memref<640xf32, #tpu.memory_space<vmem_shared>>) dst(%dma_wait3A_36 : memref<640xf32, #tpu.memory_space<hbm>>)
      tpu.yield
    }) : () -> ()
    return
  }
}

module attributes {stable_mosaic.version = 14 : i64} {
  func.func @_tc_body(%arg0: i32, %arg1: memref<1000x128xf32, #tpu.memory_space<vmem>>, %arg2: memref<1000x128xf32, #tpu.memory_space<vmem>>, %arg3: memref<1000x128xf32, #tpu.memory_space<vmem>>, %arg4: memref<1000x2xf32, #tpu.memory_space<vmem>>, %arg5: memref<1000x2xf32, #tpu.memory_space<vmem>>, %arg6: memref<128x128xf32, #tpu.memory_space<vmem>>, %arg7: memref<1x128xf32, #tpu.memory_space<vmem>>, %arg8: memref<128x128xf32, #tpu.memory_space<vmem>>, %arg9: memref<1x128xf32, #tpu.memory_space<vmem>>, %arg10: memref<1000x128xf32, #tpu.memory_space<vmem>>) attributes {dimension_semantics = [#tpu.dimension_semantics<arbitrary>], iteration_bounds = array<i64: 10>, scalar_prefetch = 0 : i64, scratch_operands = 0 : i64, tpu.core_type = #tpu.core_type<tc>, window_params = [{transform_indices = @transform_0, window_bounds = array<i64: 1000, 128>}, {transform_indices = @transform_1, window_bounds = array<i64: 1000, 128>}, {transform_indices = @transform_2, window_bounds = array<i64: 1000, 128>}, {transform_indices = @transform_3, window_bounds = array<i64: 1000, 2>}, {transform_indices = @transform_4, window_bounds = array<i64: 1000, 2>}, {pipeline_mode = #tpu.pipeline_mode<synchronous>, transform_indices = @transform_5, window_bounds = array<i64: 128, 128>}, {pipeline_mode = #tpu.pipeline_mode<synchronous>, transform_indices = @transform_6, window_bounds = array<i64: 1, 128>}, {pipeline_mode = #tpu.pipeline_mode<synchronous>, transform_indices = @transform_7, window_bounds = array<i64: 128, 128>}, {pipeline_mode = #tpu.pipeline_mode<synchronous>, transform_indices = @transform_8, window_bounds = array<i64: 1, 128>}, {transform_indices = @transform_9, window_bounds = array<i64: 1000, 128>}]} {
    %get3A = arith.constant 0 : index
    %get3A_0 = arith.constant 0 : index
    %get3A_1 = vector.load %arg2[%get3A, %get3A_0] : memref<1000x128xf32, #tpu.memory_space<vmem>>, vector<1000x128xf32>
    %get3A_2 = arith.constant 0 : index
    %get3A_3 = arith.constant 0 : index
    %get3A_4 = vector.load %arg3[%get3A_2, %get3A_3] : memref<1000x128xf32, #tpu.memory_space<vmem>>, vector<1000x128xf32>
    %add3A = arith.addf %get3A_1, %get3A_4 : vector<1000x128xf32>
    %get3A_5 = arith.constant 0 : index
    %get3A_6 = arith.constant 0 : index
    %get3A_7 = vector.load %arg4[%get3A_5, %get3A_6] : memref<1000x2xf32, #tpu.memory_space<vmem>>, vector<1000x1xf32>
    %get3A_8 = arith.constant 0 : index
    %get3A_9 = arith.constant 0 : index
    %get3A_10 = vector.load %arg5[%get3A_8, %get3A_9] : memref<1000x2xf32, #tpu.memory_space<vmem>>, vector<1000x1xf32>
    %add3A_11 = arith.addf %get3A_7, %get3A_10 : vector<1000x1xf32>
    %get3A_12 = arith.constant 0 : index
    %get3A_13 = arith.constant 1 : index
    %get3A_14 = vector.load %arg4[%get3A_12, %get3A_13] : memref<1000x2xf32, #tpu.memory_space<vmem>>, vector<1000x1xf32>
    %get3A_15 = arith.constant 0 : index
    %get3A_16 = arith.constant 1 : index
    %get3A_17 = vector.load %arg5[%get3A_15, %get3A_16] : memref<1000x2xf32, #tpu.memory_space<vmem>>, vector<1000x1xf32>
    %add3A_18 = arith.addf %get3A_14, %get3A_17 : vector<1000x1xf32>
    %max3A = arith.constant 9.99999996E-13 : f32
    %max3A_19 = vector.broadcast %max3A : f32 to vector<1000x1xf32>
    %max3A_20 = arith.maximumf %add3A_11, %max3A_19 : vector<1000x1xf32>
    %div3A = arith.constant 1.000000e+00 : f32
    %div3A_21 = vector.broadcast %div3A : f32 to vector<1000x1xf32>
    %div3A_22 = arith.divf %div3A_21, %max3A_20 : vector<1000x1xf32>
    %mul3A = arith.mulf %add3A_11, %div3A_22 : vector<1000x1xf32>
    %max3A_23 = arith.constant 1.000000e+00 : f32
    %max3A_24 = vector.broadcast %max3A_23 : f32 to vector<1000x1xf32>
    %max3A_25 = arith.maximumf %add3A_18, %max3A_24 : vector<1000x1xf32>
    %div3A_26 = arith.constant 1.000000e+00 : f32
    %div3A_27 = vector.broadcast %div3A_26 : f32 to vector<1000x1xf32>
    %div3A_28 = arith.divf %div3A_27, %max3A_25 : vector<1000x1xf32>
    %mul3A_29 = vector.broadcast %div3A_22 : vector<1000x1xf32> to vector<1000x128xf32>
    %mul3A_30 = arith.mulf %add3A, %mul3A_29 : vector<1000x128xf32>
    %get3A_31 = arith.constant 0 : index
    %get3A_32 = arith.constant 0 : index
    %get3A_33 = vector.load %arg6[%get3A_31, %get3A_32] : memref<128x128xf32, #tpu.memory_space<vmem>>, vector<128x128xf32>
    %dot_general3A = arith.constant dense<0.000000e+00> : vector<1000x128xf32>
    %dot_general3A_34 = tpu.matmul %mul3A_30, %get3A_33, %dot_general3A {dimension_numbers = #tpu.dot_dimension_numbers<[1], [0], [0], [1], [0, 0, 1, 1], [], []>, transpose_lhs_hint = false} : vector<1000x128xf32>, vector<128x128xf32>, vector<1000x128xf32> -> vector<1000x128xf32>
    %get3A_35 = arith.constant 0 : index
    %get3A_36 = arith.constant 0 : index
    %get3A_37 = vector.load %arg7[%get3A_35, %get3A_36] : memref<1x128xf32, #tpu.memory_space<vmem>>, vector<1x128xf32>
    %mul3A_38 = vector.broadcast %mul3A : vector<1000x1xf32> to vector<1000x128xf32>
    %mul3A_39 = vector.broadcast %get3A_37 : vector<1x128xf32> to vector<1000x128xf32>
    %mul3A_40 = arith.mulf %mul3A_38, %mul3A_39 : vector<1000x128xf32>
    %add3A_41 = arith.addf %dot_general3A_34, %mul3A_40 : vector<1000x128xf32>
    %mul3A_42 = vector.broadcast %div3A_28 : vector<1000x1xf32> to vector<1000x128xf32>
    %mul3A_43 = arith.mulf %add3A_41, %mul3A_42 : vector<1000x128xf32>
    %get3A_44 = arith.constant 0 : index
    %get3A_45 = arith.constant 0 : index
    %get3A_46 = vector.load %arg1[%get3A_44, %get3A_45] : memref<1000x128xf32, #tpu.memory_space<vmem>>, vector<1000x128xf32>
    %get3A_47 = arith.constant 0 : index
    %get3A_48 = arith.constant 0 : index
    %get3A_49 = vector.load %arg8[%get3A_47, %get3A_48] : memref<128x128xf32, #tpu.memory_space<vmem>>, vector<128x128xf32>
    %dot_general3A_50 = arith.constant dense<0.000000e+00> : vector<1000x128xf32>
    %dot_general3A_51 = tpu.matmul %get3A_46, %get3A_49, %dot_general3A_50 {dimension_numbers = #tpu.dot_dimension_numbers<[1], [0], [0], [1], [0, 0, 1, 1], [], []>, transpose_lhs_hint = false} : vector<1000x128xf32>, vector<128x128xf32>, vector<1000x128xf32> -> vector<1000x128xf32>
    %get3A_52 = arith.constant 0 : index
    %get3A_53 = arith.constant 0 : index
    %get3A_54 = vector.load %arg9[%get3A_52, %get3A_53] : memref<1x128xf32, #tpu.memory_space<vmem>>, vector<1x128xf32>
    %add3A_55 = vector.broadcast %get3A_54 : vector<1x128xf32> to vector<1000x128xf32>
    %add3A_56 = arith.addf %dot_general3A_51, %add3A_55 : vector<1000x128xf32>
    %add3A_57 = arith.addf %add3A_56, %mul3A_43 : vector<1000x128xf32>
    %swap3A = arith.constant 0 : index
    %swap3A_58 = arith.constant 0 : index
    %swap3A_59 = vector.load %arg10[%swap3A, %swap3A_58] : memref<1000x128xf32, #tpu.memory_space<vmem>>, vector<1000x128xf32>
    tpu.vector_store %arg10[%swap3A, %swap3A_58], %add3A_57 {strides = array<i32>} : memref<1000x128xf32, #tpu.memory_space<vmem>>, vector<1000x128xf32>,
    return
  }
  func.func @transform_0(%arg0: i32) -> (i32, i32) {
    %c0_i32 = arith.constant 0 : i32
    %c0_i32_0 = arith.constant 0 : i32
    return %arg0, %c0_i32 : i32, i32
  }
  func.func @transform_1(%arg0: i32) -> (i32, i32) {
    %c0_i32 = arith.constant 0 : i32
    %c0_i32_0 = arith.constant 0 : i32
    return %arg0, %c0_i32 : i32, i32
  }
  func.func @transform_2(%arg0: i32) -> (i32, i32) {
    %c0_i32 = arith.constant 0 : i32
    %c0_i32_0 = arith.constant 0 : i32
    return %arg0, %c0_i32 : i32, i32
  }
  func.func @transform_3(%arg0: i32) -> (i32, i32) {
    %c0_i32 = arith.constant 0 : i32
    %c0_i32_0 = arith.constant 0 : i32
    return %arg0, %c0_i32 : i32, i32
  }
  func.func @transform_4(%arg0: i32) -> (i32, i32) {
    %c0_i32 = arith.constant 0 : i32
    %c0_i32_0 = arith.constant 0 : i32
    return %arg0, %c0_i32 : i32, i32
  }
  func.func @transform_5(%arg0: i32) -> (i32, i32) {
    %c0_i32 = arith.constant 0 : i32
    %c0_i32_0 = arith.constant 0 : i32
    %c0_i32_1 = arith.constant 0 : i32
    return %c0_i32, %c0_i32_0 : i32, i32
  }
  func.func @transform_6(%arg0: i32) -> (i32, i32) {
    %c0_i32 = arith.constant 0 : i32
    %c0_i32_0 = arith.constant 0 : i32
    %c0_i32_1 = arith.constant 0 : i32
    return %c0_i32, %c0_i32_0 : i32, i32
  }
  func.func @transform_7(%arg0: i32) -> (i32, i32) {
    %c0_i32 = arith.constant 0 : i32
    %c0_i32_0 = arith.constant 0 : i32
    %c0_i32_1 = arith.constant 0 : i32
    return %c0_i32, %c0_i32_0 : i32, i32
  }
  func.func @transform_8(%arg0: i32) -> (i32, i32) {
    %c0_i32 = arith.constant 0 : i32
    %c0_i32_0 = arith.constant 0 : i32
    %c0_i32_1 = arith.constant 0 : i32
    return %c0_i32, %c0_i32_0 : i32, i32
  }
  func.func @transform_9(%arg0: i32) -> (i32, i32) {
    %c0_i32 = arith.constant 0 : i32
    %c0_i32_0 = arith.constant 0 : i32
    return %arg0, %c0_i32 : i32, i32
  }
}

</mosaic_0001>

<sc_bundles>
// kernel: kernel.4.cloned.1.call-start
scs
__scs_entry_jumppad:
0x0: {  	(pc) =	sbr.rel $0x88, $3  }
0x1: {  	(tag) =	ssettag $0x0;
	lr =	simm.s32 $0x1  }
0x2: {  	[smem:$0x3F9A] =	sst lr;
	_ =	strace $0xD0000000  }
0x3: {  	_ = 	snop  }
0x4: {  	_ = 	snop  }
0x5: {  	_ = 	snop  }
0x6: {  	_ = 	snop  }
0x7: {  	_ = 	snop  }
__scs_overlays_trampoline_lowered:
0x8: {  	[smem:$0x3FA9] =	sst s0  }
0x9: {  	[smem:$0x3FAA] =	sst s1  }
0xa: {  	[smem:$0x3FAB] =	sst s2  }
0xb: {  	[smem:$0x3FAC] =	sst s3  }
0xc: {  	[smem:$0x3FAD] =	sst s4  }
0xd: {  	[smem:$0x3FAE] =	sst s5  }
0xe: {  	[smem:$0x3FAF] =	sst s6  }
0xf: {  	[smem:$0x3FB0] =	sst s7  }
0x10: {  	[smem:$0x3FB1] =	sst s8  }
0x11: {  	[smem:$0x3FB2] =	sst s9;
	s0 =	simm.s32 @!p0 $0x0  }
0x12: {  	s1 =	sld [smem:$0x3F98];
	s0 =	simm.s32 @p0 $0x1  }
0x13: {  	[smem:$0x3FB3] =	sst s0;
	s0 =	simm.s32 @!p1 $0x0  }
0x14: {  	s2 =	sld [smem:$0x3F97];
	s0 =	simm.s32 @p1 $0x1  }
0x15: {  	[smem:$0x3FB4] =	sst s0;
	s0 =	simm.s32 @!p2 $0x0  }
0x16: {  	s3 =	sld [smem:$0x3FDB];
	s0 =	simm.s32 @p2 $0x1  }
0x17: {  	s4 =	simm.s32 $0x1BF5;
	[smem:$0x3FB6] =	sst s0  }
0x18: {  	s0 =	sld [smem:$0x3F99];
	_ =	swait.ge [sflag:s4], $0x0  }
0x19: {  	s7 =	sld [smem:$0x3F9A]  }
0x1a: {  	s8 =	sadd.s32 $0xFFFFE003, lr  }
0x1b: {  	s9 =	sadd.s32 $0xFFFFFEF7, lr;
	s5 =	simm.s32 $0xFFFFFFFF;
	p2 =	slt.u32 s8, $0xFFFFF086  }
0x1c: {  	p1 =	slt.u32 s9, $0xF7A;
	s5 =	simm.s32 @!p2 $0x0  }
0x1d: {  	s5 =	simm.s32 @p1 $0x1;
	p0 =	seq.s32 s7, s2  }
0x1e: {  	s7 =	smul.u32 @!p0 $0xF7A, s2;
	p2 =	seq.s32 @!p0 s5, $0x0  }
0x1f: {  	s9 =	smul.u32 $0xF7A, s1;
	s8 =	simm.s32 @!p0 $0x1BF5;
	p2 =	por !p2, p0  }
0x20: {  	[sflag:s8] =	ssyncset.s32 @!p0 $0xFFFFF086;
	s6 =	sadd.s32 @!p0 s3, s7;
	s7 =	simm.s32 @!p0 $0x108  }
0x21: {  	s3 =	sadd.s32 s3, s9;
	s6 =	sadd.s32 @!p0 $0x88, s6;
	s7 =	simm.s32 @p2 $0x1082  }
0x22: {  	[simem:s7], [sflag:s8] =	dma.local @!p0 [hbm:s6], $0xF7A  }
0x23: {  	s9 =	sor.u32 $0xD0000000, s2;
	s6 =	simm.s32 $0x108;
	_ =	swait.ge @!p0 [sflag:s8], $0x0  }
0x24: {  	s3 =	sadd.s32 $0x88, s3;
	s6 =	simm.s32 @!p1 $0x1082;
	[sflag:s4] =	ssyncset.s32 $0xFFFFF086  }
0x25: {  	[simem:s6], [sflag:s4] =	dma.local [hbm:s3], $0xF7A  }
0x26: {  	[smem:$0x3F9A] =	sst s1;
	(tag) =	ssettag s2;
	_ =	strace s9  }
0x27: {  	s1 =	sld [smem:$0x3FAA]  }
0x28: {  	s2 =	sld [smem:$0x3FAB]  }
0x29: {  	s4 =	sld [smem:$0x3FAD]  }
0x2a: {  	p0 =	seq.s32 s5, $0x0;
	s5 =	sld [smem:$0x3FAE]  }
0x2b: {  	s6 =	sld [smem:$0x3FAF]  }
0x2c: {  	s7 =	sld [smem:$0x3FB0]  }
0x2d: {  	s3 =	simm.s32 $0x108;
	s8 =	sld [smem:$0x3FB1]  }
0x2e: {  	s3 =	simm.s32 @!p0 $0x1082;
	s9 =	sld [smem:$0x3FB2]  }
0x2f: {  	lr =	sadd.s32 s0, s3;
	s0 =	sld [smem:$0x3FA9]  }
0x30: {  	s3 =	sld [smem:$0x3FAC]  }
0x31: {  	[smem:$0x3FB5] =	sst s10  }
0x32: {  	s10 =	sld [smem:$0x3FB3];
	_ =	sdelay $0x3  }
0x33: {  	p0 =	seq.s32 s10, $0x1;
	s10 =	sld [smem:$0x3FB5];
	_ =	sdelay $0x3  }
0x34: {  	[smem:$0x3FB5] =	sst s10  }
0x35: {  	s10 =	sld [smem:$0x3FB4];
	_ =	sdelay $0x3  }
0x36: {  	p1 =	seq.s32 s10, $0x1;
	s10 =	sld [smem:$0x3FB5];
	_ =	sdelay $0x3  }
0x37: {  	[smem:$0x3FB5] =	sst s10  }
0x38: {  	s10 =	sld [smem:$0x3FB6]  }
0x39: {  	_ = 	snop;
	(pc) =	sbr.ind lr, $3  }
0x3a: {  	_ = 	snop  }
0x3b: {  	_ = 	snop  }
0x3c: {  	p2 =	seq.s32 s10, $0x1;
	s10 =	sld [smem:$0x3FB5]  }
0x3d: {  	_ =	shalt  }
0x3e: {  	_ =	shalt  }
0x3f: {  	_ =	shalt  }
0x40: {  	_ =	shalt  }
0x41: {  	_ =	shalt  }
0x42: {  	_ =	shalt  }
0x43: {  	_ =	shalt  }
0x44: {  	_ =	shalt  }
0x45: {  	_ =	shalt  }
0x46: {  	_ =	shalt  }
0x47: {  	_ =	shalt  }
0x48: {  	_ =	shalt  }
0x49: {  	_ =	shalt  }
0x4a: {  	_ =	shalt  }
0x4b: {  	_ =	shalt  }
0x4c: {  	_ =	shalt  }
0x4d: {  	_ =	shalt  }
0x4e: {  	_ =	shalt  }
0x4f: {  	_ =	shalt  }
0x50: {  	_ =	shalt  }
0x51: {  	_ =	shalt  }
0x52: {  	_ =	shalt  }
0x53: {  	_ =	shalt  }
0x54: {  	_ =	shalt  }
0x55: {  	_ =	shalt  }
0x56: {  	_ =	shalt  }
0x57: {  	_ =	shalt  }
0x58: {  	_ =	shalt  }
0x59: {  	_ =	shalt  }
0x5a: {  	_ =	shalt  }
0x5b: {  	_ =	shalt  }
0x5c: {  	_ =	shalt  }
0x5d: {  	_ =	shalt  }
0x5e: {  	_ =	shalt  }
0x5f: {  	_ =	shalt  }
0x60: {  	_ =	shalt  }
0x61: {  	_ =	shalt  }
0x62: {  	_ =	shalt  }
0x63: {  	_ =	shalt  }
0x64: {  	_ =	shalt  }
0x65: {  	_ =	shalt  }
0x66: {  	_ =	shalt  }
0x67: {  	_ =	shalt  }
0x68: {  	_ =	shalt  }
0x69: {  	_ =	shalt  }
0x6a: {  	_ =	shalt  }
0x6b: {  	_ =	shalt  }
0x6c: {  	_ =	shalt  }
0x6d: {  	_ =	shalt  }
0x6e: {  	_ =	shalt  }
0x6f: {  	_ =	shalt  }
0x70: {  	_ =	shalt  }
0x71: {  	_ =	shalt  }
0x72: {  	_ =	shalt  }
0x73: {  	_ =	shalt  }
0x74: {  	_ =	shalt  }
0x75: {  	_ =	shalt  }
0x76: {  	_ =	shalt  }
0x77: {  	_ =	shalt  }
0x78: {  	_ =	shalt  }
0x79: {  	_ =	shalt  }
0x7a: {  	_ =	shalt  }
0x7b: {  	_ =	shalt  }
0x7c: {  	_ =	shalt  }
0x7d: {  	_ =	shalt  }
0x7e: {  	_ =	shalt  }
0x7f: {  	_ =	shalt  }
0x80: {  	_ =	shalt  }
0x81: {  	_ =	shalt  }
0x82: {  	_ =	shalt  }
0x83: {  	_ =	shalt  }
0x84: {  	_ =	shalt  }
0x85: {  	_ =	shalt  }
0x86: {  	_ =	shalt  }
0x87: {  	_ =	shalt  }
.Lfunc_end0:
.L_simem_size_0:
called_computation_lowered:
.L_overlay_start_0:
0x88: {  	s2 =	sld [smem:$0x3FD9]  }
0x89: {  	s3 =	sld [smem:$0x3FFE];
	_ =	sdelay $0x1  }
0x8a: {  	s1 =	srdreg.scid  }
0x8b: {  	s0 =	sand.u32 $0x1, s1  }
0x8c: {  	s17 =	sshll.u32 s0, $0xA;
	s2 =	sadd.s32 s3, s2  }
0x8d: {  	s2 =	sadd.s32 s2, s17  }
0x8e: {  	[smem:$0x3FC1] =	sst s2  }
0x8f: {  	_ = 	snop  }
0x90: {  	s2 =	sld [smem:$0x3FC9]  }
0x91: {  	s18 =	sld [smem:$0x3FD0];
	(tm) =	ssettm $0x1  }
0x92: {  	s4 =	sld [smem:$0x3FFB];
	_ =	sdelay $0x3  }
0x93: {  	_ =	strace s4  }
0x94: {  	s4 =	sld [smem:$0x3FFC];
	_ =	sdelay $0x3  }
0x95: {  	_ =	strace s4  }
0x96: {  	s4 =	sld [smem:$0x3FFD];
	_ =	sdelay $0x3  }
0x97: {  	_ =	strace s4  }
0x98: {  	_ =	strace $0x8FFFFFFF  }
0x99: {  	s19 =	sld [smem:$0x3FDB];
	_ =	sdelay $0x1  }
0x9a: {  	s5 =	simm.s32 $_scs_section_size  }
0x9b: {  	s6 =	simm.s32 $_size__tile_overlayer_lowered;
	s7 =	simm.s32 $_tile_overlayer_lowered  }
0x9c: {  	s22 =	simm.s32 $0x1BFF;
	s21 =	sshll.u32 s7, $0x1;
	s4 =	sadd.s32 s5, s19  }
0x9d: {  	s8 =	simm.s32 $0x0;
	s20 =	sshll.u32 s6, $0x1;
	s6 =	sadd.s32 s21, s4  }
0x9e: {  	[timem:s8], [sflag:s22] =	dma.local [hbm:s6], s20  }
0x9f: {  	_ =	swait.ge [sflag:s22], s20  }
0xa0: {  	s5 =	ssub.s32 $0x0, s20;
	[sflag:s22] =	ssyncset.done $0x0  }
0xa1: {  	[sflag:s22] =	ssyncadd.s32 s5;
	_ =	sdelay $0x1  }
0xa2: {  	s23 =	simm.s32 $0x1B8B  }
0xa3: {  	_ =	swait.ge [sflag:s23], $0x1  }
0xa4: {  	[sflag:s23] =	ssyncset.done $0x0  }
0xa5: {  	s25 =	simm.s32 $0x1B8E;
	s24 =	sld [smem:$0x3FFE];
	[sflag:s23] =	ssyncadd.s32 $0xFFFFFFFF  }
0xa6: {  	s26 =	simm.s32 $execute0_lowered;
	[smem:$0x3FD2] =	sst s25  }
0xa7: {  	s6 =	sshll.u32 s26, $0x1;
	_ =	strace $0x80000046;
	[dreg:$0x1] =	wrdreg $0xFFFFFFFF  }
0xa8: {  	s28 =	simm.s32 $_size_execute0_lowered;
	s4 =	sadd.s32 s4, s6;
	[dreg:$0x0] =	wrdreg $0x0  }
0xa9: {  	s6 =	sshll.u32 s28, $0x1;
	[dreg:$0x2] =	wrdreg s4  }
0xaa: {  	[dreg:$0x3] =	wrdreg s6  }
0xab: {  	[dreg:$0x4] =	wrdreg $0xC0  }
0xac: {  	_ =	task [dreg:s8], $0x5FFFF  }
0xad: {  	[dreg:$0x1] =	wrdreg $0xFFFFFFFF  }
0xae: {  	[dreg:$0x0] =	wrdreg $0x60  }
0xaf: {  	[dreg:$0x2] =	wrdreg s18  }
0xb0: {  	[dreg:$0x3] =	wrdreg s24  }
0xb1: {  	[dreg:$0x4] =	wrdreg s2  }
0xb2: {  	[dreg:$0x5] =	wrdreg $0xAA000  }
0xb3: {  	[dreg:$0x6] =	wrdreg $0xA2800  }
0xb4: {  	[dreg:$0x7] =	wrdreg $0xA5000  }
0xb5: {  	[dreg:$0x8] =	wrdreg $0xA7800  }
0xb6: {  	[dreg:$0x9] =	wrdreg $0x9  }
0xb7: {  	_ =	task.clear_ibuf [dreg:s8], $0xAFFFF;
	_ =	strace $0x90000046  }
0xb8: {  	s29 =	simm.s32 $0x9;
	_ =	strace $0x80000048  }
0xb9: {  	_ =	swait.ge [sflag:s29], $0x1  }
0xba: {  	[sflag:s29] =	ssyncadd.s32 $0xFFFFFFFF  }
0xbb: {  	_ =	strace $0x90000048  }
0xbc: {  	_ =	sfence  }
0xbd: {  	s30 =	sld [smem:$0x0];
	_ =	sdelay $0x2  }
0xbe: {  	s31 =	sshll.u32 s1, $0xD;
	s1 =	sshrl.u32 s1, $0x2  }
0xbf: {  	s3 =	sand.u32 $0x4000, s31;
	s1 =	sadd.s32 s1, s30  }
0xc0: {  	s0 =	sor.u32 s3, s0;
	s1 =	sshll.u32 s1, $0x11  }
0xc1: {  	s0 =	sor.u32 s1, s0  }
0xc2: {  	s0 =	sadd.s32 $0x8F2B, s0  }
0xc3: {  	[sflag:s0] =	ssyncadd.remote.s32 $0x1  }
0xc4: {  	_ =	sfence.sel $0xFFFF  }
0xc5: {  	[dreg:$0x0] =	wrdreg $0xFFFFFFFF;
	(pc) =	sbr.abs _section_cstart, $3  }
0xc6: {  	[dreg:$0x1] =	wrdreg $0xFFFFFFFF  }
0xc7: {  	_ =	task.clear_ibuf [dreg:s8], $0x2FFFF;
	_ =	strace $0x9FFFFFFF  }
0xc8: {  	(tm) =	ssettm $0x7FFFFFFF  }
0xc9: {  	_ =	shalt  }
tec
execute0_lowered:
.L_overlay_start_1:
0x0: {  	(tag) =	ssettag $0x1  }
0x1: {  	s0 =	rddreg [dreg:$0x0]  }
0x2: {  	s1 =	rddreg [dreg:$0x1]  }
0x3: {  	s10 =	rddreg [dreg:$0x3]  }
0x4: {  	s3 =	rddreg [dreg:$0x4]  }
0x5: {  	s11 =	rddreg [dreg:$0x5]  }
0x6: {  	s12 =	rddreg [dreg:$0x6];
	s7 =	simm.s32 $0x0  }
0x7: {  	s2 =	srdreg.scid;
	s13 =	stileid.u32;
	s17 =	simm.s32 $0x880  }
0x8: {  	s28 =	simm.s32 $0x800;
	s29 =	simm.s32 $0x80;
	s5 =	smul.u32 $0x14000, s13  }
0x9: {  	s31 =	simm.s32 $0x280;
	s30 =	simm.s32 $0xD00;
	s19 =	smul.u32 $0x500, s13  }
0xa: {  	[smem:$0x7FF] =	sst s7;
	s2 =	sand.u32 $0x1, s2;
	s21 =	smul.u32 $0x280, s13  }
0xb: {  	s6 =	sadd.s32 $0x1600, s1;
	s18 =	sadd.s32 $0x15600, s1;
	s9 =	smul.u32 $0x50000, s13  }
0xc: {  	s25 =	smul.u32 $0xA00, s13;
	_ =	strace $0x80000047;
	[dreg:$0x11] =	wrdreg s6  }
0xd: {  	s14 =	sadd.s32 $0xB600, s1;
	s4 =	smul.u32 $0x140000, s2;
	[dreg:$0x12] =	wrdreg s18  }
0xe: {  	s20 =	sshll.u32 s2, $0x7;
	s8 =	ssub.s32 $0x2, s2;
	[dreg:$0x13] =	wrdreg s14  }
0xf: {  	s2 =	sshll.u32 s2, $0x4;
	[dreg:$0xa] =	wrdreg s17;
	s18 =	simm.s32 $0x900  }
0x10: {  	s17 =	simm.s32 $0xA80;
	s6 =	simm.s32 $0x0;
	s22 =	sshrl.u32 s8, $0x1  }
0x11: {  	s23 =	sadd.s32 s21, s3;
	s24 =	sshrl.u32 s9, $0x2;
	[dreg:$0xb] =	wrdreg s18  }
0x12: {  	s11 =	sadd.s32 s21, s11;
	s14 =	sadd.s32 s25, s14;
	[dreg:$0x14] =	wrdreg s23  }
0x13: {  	s16 =	sadd.s32 s21, s12;
	s0 =	sadd.s32 s25, s0;
	[dreg:$0x8] =	wrdreg s14  }
0x14: {  	s2 =	sor.u32 s13, s2;
	s25 =	simm.s32 $0xA00;
	[dreg:$0x9] =	wrdreg s0  }
0x15: {  	s18 =	simm.s32 $0x380;
	s13 =	simm.s32 $0xE00;
	[dreg:$0xf] =	wrdreg s25  }
0x16: {  	s4 =	sadd.s32 s5, s4;
	s5 =	sor.u32 s20, s19;
	[dreg:$0x15] =	wrdreg s11  }
0x17: {  	s15 =	sadd.s32 s24, s10;
	s20 =	simm.s32 $0x100;
	[dreg:$0x17] =	wrdreg s16  }
0x18: {  	s2 =	smul.u32 $0x2800, s2;
	s23 =	simm.s32 $0x180;
	[dreg:$0xc] =	wrdreg s20  }
0x19: {  	s25 =	simm.s32 $0x2;
	s14 =	simm.s32 $0x580;
	[dreg:$0xe] =	wrdreg s23  }
0x1a: {  	s4 =	sshrl.u32 s4, $0x3;
	s26 =	sadd.s32 $0x4000, s15;
	[dreg:$0x16] =	wrdreg s15  }
0x1b: {  	s5 =	sshrl.u32 s5, $0x3;
	s9 =	sadd.s32 $0x8000, s15;
	[dreg:$0x18] =	wrdreg s26  }
0x1c: {  	s10 =	sadd.s32 $0xC000, s15;
	s12 =	sadd.s32 $0x10000, s15;
	[dreg:$0x19] =	wrdreg s9  }
0x1d: {  	s20 =	simm.s32 $0xC00;
	s23 =	simm.s32 $0x480;
	[dreg:$0x1a] =	wrdreg s10  }
0x1e: {  	s4 =	sadd.s32 s4, s1;
	s1 =	sadd.s32 s5, s1;
	[dreg:$0x1b] =	wrdreg s12  }
0x1f: {  	s5 =	ssub.s32 s8, s22;
	[dreg:$0x1c] =	wrdreg s2;
	s22 =	simm.s32 $0x980  }
0x20: {  	s26 =	simm.s32 $0x200;
	s12 =	simm.s32 $0xD80;
	s8 =	simm.s32 $0x600  }
0x21: {  	s9 =	simm.s32 $0xE80;
	s10 =	simm.s32 $0x680;
	[dreg:$0xd] =	wrdreg s22  }
0x22: {  	s2 =	simm.s32 $0x7A80;
	s19 =	sadd.s32 $0x1F600, s4;
	[dreg:$0x10] =	wrdreg s26  }
0x23: {  	s21 =	sadd.s32 $0x6F600, s1;
	s1 =	sadd.s32 $0x70000, s1;
	[dreg:$0x1d] =	wrdreg s19  }
0x24: {  	s24 =	smax.u32 s5, $0x1;
	s26 =	simm.s32 $0x3800;
	[dreg:$0x1e] =	wrdreg s21  }
0x25: {  	s22 =	simm.s32 $0xC80;
	s4 =	simm.s32 $0x1;
	[dreg:$0x1f] =	wrdreg s1  }
0x26: {  	s5 =	simm.s32 $0x2800;
	[smem:$0x7FD] =	sst s24;
	s21 =	simm.s32 $0x400  }
0x27: {  	v0 =	vimm.f32 $0.0e+00;
	s24 =	simm.s32 $0x500;
	s19 =	simm.s32 $0xF00;
	s1 =	simm.s32 $0x700  }
.LBB2_1:
0x28: {  	[tilespmem:$0x7800] =	vst v0  }
0x29: {  	[tilespmem:$0x7810] =	vst v0  }
0x2a: {  	[tilespmem:$0x7820] =	vst v0  }
0x2b: {  	[tilespmem:$0x7830] =	vst v0  }
0x2c: {  	[tilespmem:$0x7840] =	vst v0  }
0x2d: {  	[tilespmem:$0x7850] =	vst v0  }
0x2e: {  	[tilespmem:$0x7860] =	vst v0  }
0x2f: {  	[tilespmem:$0x7870] =	vst v0  }
0x30: {  	[tilespmem:$0x7880] =	vst v0  }
0x31: {  	[tilespmem:$0x7890] =	vst v0  }
0x32: {  	[tilespmem:$0x78A0] =	vst v0  }
0x33: {  	[tilespmem:$0x78B0] =	vst v0  }
0x34: {  	[tilespmem:$0x78C0] =	vst v0  }
0x35: {  	[tilespmem:$0x78D0] =	vst v0  }
0x36: {  	[tilespmem:$0x78E0] =	vst v0  }
0x37: {  	[tilespmem:$0x78F0] =	vst v0  }
0x38: {  	[tilespmem:$0x7900] =	vst v0  }
0x39: {  	[tilespmem:$0x7910] =	vst v0  }
0x3a: {  	[tilespmem:$0x7920] =	vst v0  }
0x3b: {  	[tilespmem:$0x7930] =	vst v0  }
0x3c: {  	[tilespmem:$0x7940] =	vst v0  }
0x3d: {  	[tilespmem:$0x7950] =	vst v0  }
0x3e: {  	[tilespmem:$0x7960] =	vst v0  }
0x3f: {  	[tilespmem:$0x7970] =	vst v0  }
0x40: {  	[tilespmem:$0x7980] =	vst v0  }
0x41: {  	[tilespmem:$0x7990] =	vst v0  }
0x42: {  	[tilespmem:$0x79A0] =	vst v0  }
0x43: {  	[tilespmem:$0x79B0] =	vst v0  }
0x44: {  	[tilespmem:$0x79C0] =	vst v0  }
0x45: {  	[tilespmem:$0x79D0] =	vst v0  }
0x46: {  	[tilespmem:$0x79E0] =	vst v0  }
0x47: {  	[tilespmem:$0x79F0] =	vst v0  }
0x48: {  	[tilespmem:$0x7A00] =	vst v0  }
0x49: {  	[tilespmem:$0x7A10] =	vst v0  }
0x4a: {  	[tilespmem:$0x7A20] =	vst v0  }
0x4b: {  	[tilespmem:$0x7A30] =	vst v0  }
0x4c: {  	[tilespmem:$0x7A40] =	vst v0  }
0x4d: {  	[tilespmem:$0x7A50] =	vst v0  }
0x4e: {  	[tilespmem:$0x7A60] =	vst v0  }
0x4f: {  	[smem:$0x7FC] =	sst s6;
	[tilespmem:$0x7A70] =	vst v0;
	s0 =	simm.s32 $0x10;
	s6 =	sand.u32 $0x3FF0, s7  }
.LBB2_2:
0x50: {  	p0 =	sne.s32 s0, $0x3FF0;
	[tilespmem:s6+$0x3800] =	vst v0;
	s6 =	smov.u32 s0;
	s0 =	sadd.s32 $0x10, s0  }
.Ltmp0:
0x51: {  	(pc) =	sbr.rel @p0 .LBB2_2-.Ltmp0, $2  }
0x52: {  	_ =	sdelay $0x2  }
0x53: {  	s6 =	sand.u32 $0x3FF0, s6  }
0x54: {  	[tilespmem:s6+$0x3800] =	vst v0;
	s0 =	rddreg [dreg:$0x14];
	s6 =	simm.s32 $0x7800  }
0x55: {  	[spmem:s0] =	stream.linear.scatter [tilespmem:s6], [sflag:$0x2], $0x280, $0x38;
	[tilespmem:$0x1EA00] =	vst v63  }
0x56: {  	_ =	swait.ge [sflag:s25], $0x280  }
0x57: {  	[sflag:s25] =	ssyncset.done $0x0  }
0x58: {  	[sflag:s25] =	ssyncadd.s32 $0xFFFFFD80  }
0x59: {  	[spmem:s11] =	stream.linear.scatter [tilespmem:s6], [sflag:$0x2], $0x280, $0x38;
	[tilespmem:$0x1EA00] =	vst v63  }
0x5a: {  	_ =	swait.ge [sflag:s25], $0x280  }
0x5b: {  	[sflag:s25] =	ssyncset.done $0x0  }
0x5c: {  	[sflag:s25] =	ssyncadd.s32 $0xFFFFFD80  }
0x5d: {  	[spmem:s16] =	stream.linear.scatter [tilespmem:s6], [sflag:$0x2], $0x280, $0x38;
	[tilespmem:$0x1EA00] =	vst v63  }
0x5e: {  	_ =	swait.ge [sflag:s25], $0x280  }
0x5f: {  	[sflag:s25] =	ssyncset.done $0x0  }
0x60: {  	[sflag:s25] =	ssyncadd.s32 $0xFFFFFD80  }
0x61: {  	[spmem:s15] =	stream.linear.scatter [tilespmem:s26], [sflag:$0x2], $0x4000, $0x38;
	[tilespmem:$0x1EA00] =	vst v63  }
0x62: {  	_ =	swait.ge [sflag:s25], $0x4000  }
0x63: {  	[sflag:s25] =	ssyncset.done $0x0  }
0x64: {  	s6 =	rddreg [dreg:$0x18];
	[sflag:s25] =	ssyncadd.s32 $0xFFFFC000  }
0x65: {  	[spmem:s6] =	stream.linear.scatter [tilespmem:s26], [sflag:$0x2], $0x4000, $0x38;
	[tilespmem:$0x1EA00] =	vst v63  }
0x66: {  	_ =	swait.ge [sflag:s25], $0x4000  }
0x67: {  	[sflag:s25] =	ssyncset.done $0x0  }
0x68: {  	s11 =	rddreg [dreg:$0x19];
	[sflag:s25] =	ssyncadd.s32 $0xFFFFC000  }
0x69: {  	[spmem:s11] =	stream.linear.scatter [tilespmem:s26], [sflag:$0x2], $0x4000, $0x38;
	[tilespmem:$0x1EA00] =	vst v63  }
0x6a: {  	_ =	swait.ge [sflag:s25], $0x4000  }
0x6b: {  	[sflag:s25] =	ssyncset.done $0x0  }
0x6c: {  	s15 =	rddreg [dreg:$0x1a];
	[sflag:s25] =	ssyncadd.s32 $0xFFFFC000  }
0x6d: {  	[spmem:s15] =	stream.linear.scatter [tilespmem:s26], [sflag:$0x2], $0x4000, $0x38;
	[tilespmem:$0x1EA00] =	vst v63  }
0x6e: {  	_ =	swait.ge [sflag:s25], $0x4000  }
0x6f: {  	[sflag:s25] =	ssyncset.done $0x0  }
0x70: {  	s16 =	rddreg [dreg:$0x1b];
	[sflag:s25] =	ssyncadd.s32 $0xFFFFC000  }
0x71: {  	[spmem:s16] =	stream.linear.scatter [tilespmem:s26], [sflag:$0x2], $0x4000, $0x38;
	[tilespmem:$0x1EA00] =	vst v63  }
0x72: {  	_ =	swait.ge [sflag:s25], $0x4000  }
0x73: {  	[sflag:s25] =	ssyncset.done $0x0  }
0x74: {  	[sflag:s25] =	ssyncadd.s32 $0xFFFFC000  }
0x75: {  	[bflag:$0x0] =	sbarrier.arrive $0xFFFF  }
0x76: {  	s6 =	rddreg [dreg:$0x9]  }
0x77: {  	s0 =	sadd.s32 $0x0, s6  }
0x78: {  	[tilespmem:s7], [sflag:$0x2] =	stream.linear.gather [hbm4b:s0+s7], $0x800, $0x38;
	[tilespmem:$0x1EA00] =	vst v63  }
0x79: {  	_ =	swait.ge [sflag:s25], $0x800  }
0x7a: {  	s11 =	rddreg [dreg:$0x8];
	[sflag:s25] =	ssyncset.done $0x0  }
0x7b: {  	[sflag:s25] =	ssyncadd.s32 $0xFFFFF800;
	s0 =	sadd.s32 $0x0, s11  }
0x7c: {  	[tilespmem:s28], [sflag:$0x2] =	stream.linear.gather [hbm4b:s0+s7], $0x800, $0x38;
	[tilespmem:$0x1EA00] =	vst v63  }
0x7d: {  	_ =	swait.ge [sflag:s25], $0x800  }
0x7e: {  	[sflag:s25] =	ssyncset.done $0x0  }
0x7f: {  	[sflag:s25] =	ssyncadd.s32 $0xFFFFF800  }
0x80: {  	[spmem:s3] =	stream.indirect.scatter.add.f32 [tilespmem:s7], [sflag:$0x2], $0x1, s28, s29, $0xb8;
	[tilespmem:$0x1EA00] =	vst v63  }
0x81: {  	_ =	swait.ge [sflag:s25], $0x80  }
0x82: {  	[sflag:s25] =	ssyncset.done $0x0  }
0x83: {  	s15 =	rddreg [dreg:$0xa];
	[sflag:s25] =	ssyncadd.s32 $0xFFFFFF80  }
0x84: {  	[spmem:s3] =	stream.indirect.scatter.add.f32 [tilespmem:s29], [sflag:$0x2], $0x1, s15, s29, $0xb8;
	[tilespmem:$0x1EA00] =	vst v63  }
0x85: {  	_ =	swait.ge [sflag:s25], $0x80  }
0x86: {  	s16 =	rddreg [dreg:$0xb];
	[sflag:s25] =	ssyncset.done $0x0  }
0x87: {  	s26 =	rddreg [dreg:$0xc];
	[sflag:s25] =	ssyncadd.s32 $0xFFFFFF80  }
0x88: {  	[spmem:s3] =	stream.indirect.scatter.add.f32 [tilespmem:s26], [sflag:$0x2], $0x1, s16, s29, $0xb8;
	[tilespmem:$0x1EA00] =	vst v63  }
0x89: {  	_ =	swait.ge [sflag:s25], $0x80  }
0x8a: {  	s6 =	rddreg [dreg:$0xd];
	[sflag:s25] =	ssyncset.done $0x0  }
0x8b: {  	s7 =	rddreg [dreg:$0xe];
	[sflag:s25] =	ssyncadd.s32 $0xFFFFFF80  }
0x8c: {  	[spmem:s3] =	stream.indirect.scatter.add.f32 [tilespmem:s7], [sflag:$0x2], $0x1, s6, s29, $0xb8;
	[tilespmem:$0x1EA00] =	vst v63  }
0x8d: {  	_ =	swait.ge [sflag:s25], $0x80  }
0x8e: {  	s11 =	rddreg [dreg:$0xf];
	[sflag:s25] =	ssyncset.done $0x0  }
0x8f: {  	s15 =	rddreg [dreg:$0x10];
	[sflag:s25] =	ssyncadd.s32 $0xFFFFFF80  }
0x90: {  	[spmem:s3] =	stream.indirect.scatter.add.f32 [tilespmem:s15], [sflag:$0x2], $0x1, s11, s29, $0xb8;
	[tilespmem:$0x1EA00] =	vst v63  }
0x91: {  	_ =	swait.ge [sflag:s25], $0x80  }
0x92: {  	[sflag:s25] =	ssyncset.done $0x0  }
0x93: {  	[sflag:s25] =	ssyncadd.s32 $0xFFFFFF80  }
0x94: {  	[spmem:s3] =	stream.indirect.scatter.add.f32 [tilespmem:s31], [sflag:$0x2], $0x1, s17, s29, $0xb8;
	[tilespmem:$0x1EA00] =	vst v63  }
0x95: {  	_ =	swait.ge [sflag:s25], $0x80  }
0x96: {  	[sflag:s25] =	ssyncset.done $0x0  }
0x97: {  	s16 =	simm.s32 $0xB00;
	s26 =	simm.s32 $0x300;
	[sflag:s25] =	ssyncadd.s32 $0xFFFFFF80  }
0x98: {  	[spmem:s3] =	stream.indirect.scatter.add.f32 [tilespmem:s26], [sflag:$0x2], $0x1, s16, s29, $0xb8;
	[tilespmem:$0x1EA00] =	vst v63  }
0x99: {  	_ =	swait.ge [sflag:s25], $0x80  }
0x9a: {  	[sflag:s25] =	ssyncset.done $0x0  }
0x9b: {  	s16 =	simm.s32 $0xB80;
	[sflag:s25] =	ssyncadd.s32 $0xFFFFFF80  }
0x9c: {  	[spmem:s3] =	stream.indirect.scatter.add.f32 [tilespmem:s18], [sflag:$0x2], $0x1, s16, s29, $0xb8;
	[tilespmem:$0x1EA00] =	vst v63  }
0x9d: {  	_ =	swait.ge [sflag:s25], $0x80  }
0x9e: {  	[sflag:s25] =	ssyncset.done $0x0  }
0x9f: {  	[sflag:s25] =	ssyncadd.s32 $0xFFFFFF80  }
0xa0: {  	[spmem:s3] =	stream.indirect.scatter.add.f32 [tilespmem:s21], [sflag:$0x2], $0x1, s20, s29, $0xb8;
	[tilespmem:$0x1EA00] =	vst v63  }
0xa1: {  	_ =	swait.ge [sflag:s25], $0x80  }
0xa2: {  	[sflag:s25] =	ssyncset.done $0x0  }
0xa3: {  	[sflag:s25] =	ssyncadd.s32 $0xFFFFFF80  }
0xa4: {  	[spmem:s3] =	stream.indirect.scatter.add.f32 [tilespmem:s23], [sflag:$0x2], $0x1, s22, s29, $0xb8;
	[tilespmem:$0x1EA00] =	vst v63  }
0xa5: {  	_ =	swait.ge [sflag:s25], $0x80  }
0xa6: {  	[sflag:s25] =	ssyncset.done $0x0  }
0xa7: {  	[sflag:s25] =	ssyncadd.s32 $0xFFFFFF80  }
0xa8: {  	[spmem:s3] =	stream.indirect.scatter.add.f32 [tilespmem:s24], [sflag:$0x2], $0x1, s30, s29, $0xb8;
	[tilespmem:$0x1EA00] =	vst v63  }
0xa9: {  	_ =	swait.ge [sflag:s25], $0x80  }
0xaa: {  	[sflag:s25] =	ssyncset.done $0x0  }
0xab: {  	[sflag:s25] =	ssyncadd.s32 $0xFFFFFF80  }
0xac: {  	[spmem:s3] =	stream.indirect.scatter.add.f32 [tilespmem:s14], [sflag:$0x2], $0x1, s12, s29, $0xb8;
	[tilespmem:$0x1EA00] =	vst v63  }
0xad: {  	_ =	swait.ge [sflag:s25], $0x80  }
0xae: {  	[sflag:s25] =	ssyncset.done $0x0  }
0xaf: {  	s28 =	simm.s32 $0x700;
	s7 =	simm.s32 $0xF80;
	[sflag:s25] =	ssyncadd.s32 $0xFFFFFF80  }
0xb0: {  	[spmem:s3] =	stream.indirect.scatter.add.f32 [tilespmem:s8], [sflag:$0x2], $0x1, s13, s29, $0xb8;
	[tilespmem:$0x1EA00] =	vst v63  }
0xb1: {  	s11 =	simm.s32 $0x0;
	s15 =	simm.s32 $0x780;
	_ =	swait.ge [sflag:s25], $0x80  }
0xb2: {  	s26 =	simm.s32 $0x800;
	s18 =	simm.s32 $0x380;
	[sflag:s25] =	ssyncset.done $0x0  }
0xb3: {  	s20 =	simm.s32 $0xC00;
	s21 =	simm.s32 $0x400;
	[sflag:s25] =	ssyncadd.s32 $0xFFFFFF80  }
0xb4: {  	[spmem:s3] =	stream.indirect.scatter.add.f32 [tilespmem:s10], [sflag:$0x2], $0x1, s9, s29, $0xb8;
	[tilespmem:$0x1EA00] =	vst v63  }
0xb5: {  	s22 =	simm.s32 $0xC80;
	s23 =	simm.s32 $0x480;
	_ =	swait.ge [sflag:s25], $0x80  }
0xb6: {  	s24 =	simm.s32 $0xD00;
	s30 =	simm.s32 $0x100;
	[sflag:s25] =	ssyncset.done $0x0  }
0xb7: {  	s14 =	simm.s32 $0xD80;
	s12 =	simm.s32 $0x500;
	[sflag:s25] =	ssyncadd.s32 $0xFFFFFF80  }
0xb8: {  	[spmem:s3] =	stream.indirect.scatter.add.f32 [tilespmem:s1], [sflag:$0x2], $0x1, s19, s29, $0xb8;
	[tilespmem:$0x1EA00] =	vst v63  }
0xb9: {  	s8 =	simm.s32 $0xE00;
	s13 =	simm.s32 $0x580;
	_ =	swait.ge [sflag:s25], $0x80  }
0xba: {  	s10 =	simm.s32 $0xE80;
	s9 =	simm.s32 $0x600;
	[sflag:s25] =	ssyncset.done $0x0  }
0xbb: {  	s1 =	simm.s32 $0xF00;
	s19 =	simm.s32 $0x680;
	[sflag:s25] =	ssyncadd.s32 $0xFFFFFF80  }
.LBB2_4:
0xbc: {  	[spmem:s3] =	stream.indirect.scatter.add.f32 [tilespmem:s15], [sflag:$0x2], $0x1, s7, s29, $0xb8;
	[tilespmem:$0x1EA00] =	vst v63  }
0xbd: {  	_ =	swait.ge [sflag:s25], $0x80  }
0xbe: {  	s0 =	smov.u32 s30;
	s6 =	rddreg [dreg:$0x9];
	[sflag:s25] =	ssyncset.done $0x0  }
0xbf: {  	[sflag:s25] =	ssyncadd.s32 $0xFFFFFF80;
	s6 =	sadd.s32 s0, s6  }
0xc0: {  	[tilespmem:s11], [sflag:$0x2] =	stream.linear.gather [hbm4b:s6+s11], $0x800, $0x38;
	[tilespmem:$0x1EA00] =	vst v63  }
0xc1: {  	_ =	swait.ge [sflag:s25], $0x800  }
0xc2: {  	s6 =	rddreg [dreg:$0x8];
	[sflag:s25] =	ssyncset.done $0x0  }
0xc3: {  	[sflag:s25] =	ssyncadd.s32 $0xFFFFF800;
	s0 =	sadd.s32 s0, s6  }
0xc4: {  	[tilespmem:s26], [sflag:$0x2] =	stream.linear.gather [hbm4b:s0+s11], $0x800, $0x38;
	[tilespmem:$0x1EA00] =	vst v63  }
0xc5: {  	_ =	swait.ge [sflag:s25], $0x800  }
0xc6: {  	[sflag:s25] =	ssyncset.done $0x0  }
0xc7: {  	[sflag:s25] =	ssyncadd.s32 $0xFFFFF800  }
0xc8: {  	[spmem:s3] =	stream.indirect.scatter.add.f32 [tilespmem:s11], [sflag:$0x2], $0x1, s26, s29, $0xb8;
	[tilespmem:$0x1EA00] =	vst v63  }
0xc9: {  	_ =	swait.ge [sflag:s25], $0x80  }
0xca: {  	[sflag:s25] =	ssyncset.done $0x0  }
0xcb: {  	s6 =	rddreg [dreg:$0xa];
	[sflag:s25] =	ssyncadd.s32 $0xFFFFFF80  }
0xcc: {  	[spmem:s3] =	stream.indirect.scatter.add.f32 [tilespmem:s29], [sflag:$0x2], $0x1, s6, s29, $0xb8;
	[tilespmem:$0x1EA00] =	vst v63  }
0xcd: {  	_ =	swait.ge [sflag:s25], $0x80  }
0xce: {  	s0 =	rddreg [dreg:$0xb];
	[sflag:s25] =	ssyncset.done $0x0  }
0xcf: {  	s6 =	rddreg [dreg:$0xc];
	[sflag:s25] =	ssyncadd.s32 $0xFFFFFF80  }
0xd0: {  	[spmem:s3] =	stream.indirect.scatter.add.f32 [tilespmem:s6], [sflag:$0x2], $0x1, s0, s29, $0xb8;
	[tilespmem:$0x1EA00] =	vst v63  }
0xd1: {  	_ =	swait.ge [sflag:s25], $0x80  }
0xd2: {  	[sflag:s25] =	ssyncset.done $0x0;
	s0 =	rddreg [dreg:$0xd]  }
0xd3: {  	s6 =	rddreg [dreg:$0xe];
	[sflag:s25] =	ssyncadd.s32 $0xFFFFFF80  }
0xd4: {  	[spmem:s3] =	stream.indirect.scatter.add.f32 [tilespmem:s6], [sflag:$0x2], $0x1, s0, s29, $0xb8;
	[tilespmem:$0x1EA00] =	vst v63  }
0xd5: {  	_ =	swait.ge [sflag:s25], $0x80  }
0xd6: {  	[sflag:s25] =	ssyncset.done $0x0;
	s0 =	rddreg [dreg:$0xf]  }
0xd7: {  	s6 =	rddreg [dreg:$0x10];
	[sflag:s25] =	ssyncadd.s32 $0xFFFFFF80  }
0xd8: {  	[spmem:s3] =	stream.indirect.scatter.add.f32 [tilespmem:s6], [sflag:$0x2], $0x1, s0, s29, $0xb8;
	[tilespmem:$0x1EA00] =	vst v63  }
0xd9: {  	_ =	swait.ge [sflag:s25], $0x80  }
0xda: {  	[sflag:s25] =	ssyncset.done $0x0  }
0xdb: {  	[sflag:s25] =	ssyncadd.s32 $0xFFFFFF80  }
0xdc: {  	[spmem:s3] =	stream.indirect.scatter.add.f32 [tilespmem:s31], [sflag:$0x2], $0x1, s17, s29, $0xb8;
	[tilespmem:$0x1EA00] =	vst v63  }
0xdd: {  	_ =	swait.ge [sflag:s25], $0x80  }
0xde: {  	[sflag:s25] =	ssyncset.done $0x0  }
0xdf: {  	s0 =	simm.s32 $0xB00;
	s6 =	simm.s32 $0x300;
	[sflag:s25] =	ssyncadd.s32 $0xFFFFFF80  }
0xe0: {  	[spmem:s3] =	stream.indirect.scatter.add.f32 [tilespmem:s6], [sflag:$0x2], $0x1, s0, s29, $0xb8;
	[tilespmem:$0x1EA00] =	vst v63  }
0xe1: {  	_ =	swait.ge [sflag:s25], $0x80  }
0xe2: {  	[sflag:s25] =	ssyncset.done $0x0  }
0xe3: {  	[sflag:s25] =	ssyncadd.s32 $0xFFFFFF80  }
0xe4: {  	[spmem:s3] =	stream.indirect.scatter.add.f32 [tilespmem:s18], [sflag:$0x2], $0x1, s16, s29, $0xb8;
	[tilespmem:$0x1EA00] =	vst v63  }
0xe5: {  	_ =	swait.ge [sflag:s25], $0x80  }
0xe6: {  	[sflag:s25] =	ssyncset.done $0x0  }
0xe7: {  	[sflag:s25] =	ssyncadd.s32 $0xFFFFFF80  }
0xe8: {  	[spmem:s3] =	stream.indirect.scatter.add.f32 [tilespmem:s21], [sflag:$0x2], $0x1, s20, s29, $0xb8;
	[tilespmem:$0x1EA00] =	vst v63  }
0xe9: {  	_ =	swait.ge [sflag:s25], $0x80  }
0xea: {  	[sflag:s25] =	ssyncset.done $0x0  }
0xeb: {  	[sflag:s25] =	ssyncadd.s32 $0xFFFFFF80  }
0xec: {  	[spmem:s3] =	stream.indirect.scatter.add.f32 [tilespmem:s23], [sflag:$0x2], $0x1, s22, s29, $0xb8;
	[tilespmem:$0x1EA00] =	vst v63  }
0xed: {  	_ =	swait.ge [sflag:s25], $0x80  }
0xee: {  	[sflag:s25] =	ssyncset.done $0x0  }
0xef: {  	[sflag:s25] =	ssyncadd.s32 $0xFFFFFF80  }
0xf0: {  	[spmem:s3] =	stream.indirect.scatter.add.f32 [tilespmem:s12], [sflag:$0x2], $0x1, s24, s29, $0xb8;
	[tilespmem:$0x1EA00] =	vst v63  }
0xf1: {  	_ =	swait.ge [sflag:s25], $0x80  }
0xf2: {  	[sflag:s25] =	ssyncset.done $0x0  }
0xf3: {  	[sflag:s25] =	ssyncadd.s32 $0xFFFFFF80  }
0xf4: {  	[spmem:s3] =	stream.indirect.scatter.add.f32 [tilespmem:s13], [sflag:$0x2], $0x1, s14, s29, $0xb8;
	[tilespmem:$0x1EA00] =	vst v63  }
0xf5: {  	_ =	swait.ge [sflag:s25], $0x80  }
0xf6: {  	[sflag:s25] =	ssyncset.done $0x0  }
0xf7: {  	[sflag:s25] =	ssyncadd.s32 $0xFFFFFF80  }
0xf8: {  	[spmem:s3] =	stream.indirect.scatter.add.f32 [tilespmem:s9], [sflag:$0x2], $0x1, s8, s29, $0xb8;
	[tilespmem:$0x1EA00] =	vst v63  }
0xf9: {  	_ =	swait.ge [sflag:s25], $0x80  }
0xfa: {  	[sflag:s25] =	ssyncset.done $0x0  }
0xfb: {  	[sflag:s25] =	ssyncadd.s32 $0xFFFFFF80  }
0xfc: {  	[spmem:s3] =	stream.indirect.scatter.add.f32 [tilespmem:s19], [sflag:$0x2], $0x1, s10, s29, $0xb8;
	[tilespmem:$0x1EA00] =	vst v63  }
0xfd: {  	_ =	swait.ge [sflag:s25], $0x80  }
0xfe: {  	p0 =	sne.s32 s30, $0x900;
	[sflag:s25] =	ssyncset.done $0x0  }
.Ltmp1:
0xff: {  	[sflag:s25] =	ssyncadd.s32 $0xFFFFFF80;
	(pc) =	sbr.rel @p0 .LBB2_4-.Ltmp1, $4  }
0x100: {  	[spmem:s3] =	stream.indirect.scatter.add.f32 [tilespmem:s28], [sflag:$0x2], $0x1, s1, s29, $0xb8;
	[tilespmem:$0x1EA00] =	vst v63  }
0x101: {  	_ =	swait.ge [sflag:s25], $0x80  }
0x102: {  	[sflag:s25] =	ssyncset.done $0x0  }
0x103: {  	s30 =	sadd.s32 $0x100, s30;
	[sflag:s25] =	ssyncadd.s32 $0xFFFFFF80  }
0x104: {  	[spmem:s3] =	stream.indirect.scatter.add.f32 [tilespmem:s15], [sflag:$0x2], $0x1, s7, s29, $0xb8;
	[tilespmem:$0x1EA00] =	vst v63  }
0x105: {  	s22 =	simm.s32 $0x0;
	s30 =	simm.s32 $0x0;
	s24 =	simm.s32 $0x500  }
0x106: {  	s12 =	simm.s32 $0xD80;
	s14 =	simm.s32 $0x580;
	_ =	swait.ge [sflag:s25], $0x80  }
0x107: {  	s13 =	simm.s32 $0xE00;
	s8 =	simm.s32 $0x600;
	[sflag:s25] =	ssyncset.done $0x0  }
0x108: {  	s9 =	simm.s32 $0xE80;
	s10 =	simm.s32 $0x680;
	[sflag:s25] =	ssyncadd.s32 $0xFFFFFF80  }
0x109: {  	s19 =	simm.s32 $0xF00;
	s1 =	simm.s32 $0x700;
	[bflag:$0x0] =	sbarrier.arrive $0xFFFF  }
0x10a: {  	[tilespmem:s2], [sflag:$0x2] =	stream.linear.gather [spmem:s3], $0x2800, $0x38;
	[tilespmem:$0x1EA00] =	vst v63  }
0x10b: {  	s28 =	simm.s32 $0x800;
	s26 =	simm.s32 $0x3800;
	_ =	swait.ge [sflag:s25], $0x2800  }
0x10c: {  	s7 =	simm.s32 $0x0;
	s18 =	simm.s32 $0x1000;
	[sflag:s25] =	ssyncset.done $0x0  }
0x10d: {  	s20 =	simm.s32 $0x1800;
	s21 =	simm.s32 $0x2000;
	[sflag:s25] =	ssyncadd.s32 $0xFFFFD800  }
.LBB2_6:
0x10e: {  	s0 =	sshll.u32 s30, $0xB;
	s6 =	rddreg [dreg:$0x1c]  }
0x10f: {  	s0 =	sadd.s32 s6, s0  }
0x110: {  	s17 =	rddreg [dreg:$0x12];
	s0 =	sshrl.u32 s0, $0x3  }
0x111: {  	s6 =	sadd.s32 s17, s0  }
0x112: {  	[tilespmem:s18], [sflag:$0x2] =	stream.linear.gather [hbm4b:s6+s22], $0x800, $0x38;
	[tilespmem:$0x1EA00] =	vst v63  }
0x113: {  	_ =	swait.ge [sflag:s25], $0x800  }
0x114: {  	[sflag:s25] =	ssyncset.done $0x0;
	s23 =	rddreg [dreg:$0x13]  }
0x115: {  	[sflag:s25] =	ssyncadd.s32 $0xFFFFF800;
	s6 =	sadd.s32 s23, s0  }
0x116: {  	[tilespmem:s20], [sflag:$0x2] =	stream.linear.gather [hbm4b:s6+s22], $0x800, $0x38;
	[tilespmem:$0x1EA00] =	vst v63  }
0x117: {  	_ =	swait.ge [sflag:s25], $0x800  }
0x118: {  	[sflag:s25] =	ssyncset.done $0x0;
	s31 =	rddreg [dreg:$0x11]  }
0x119: {  	[sflag:s25] =	ssyncadd.s32 $0xFFFFF800;
	s0 =	sadd.s32 s31, s0  }
0x11a: {  	[tilespmem:s21], [sflag:$0x2] =	stream.linear.gather [hbm4b:s0+s22], $0x800, $0x38;
	[tilespmem:$0x1EA00] =	vst v63  }
0x11b: {  	_ =	swait.ge [sflag:s25], $0x800  }
0x11c: {  	[sflag:s25] =	ssyncset.done $0x0  }
0x11d: {  	s0 =	simm.s32 $0x0;
	[sflag:s25] =	ssyncadd.s32 $0xFFFFF800  }
0x11e: {  	v1 =	vld [tilespmem:s0+$0x1800];
	_ =	sdelay $0x7  }
0x11f: {  	v1 =	vld.idx.msk [tilespmem:v1+s2+$0x0], $0xffff;
	_ =	sdelay $0x4  }
0x120: {  	v1 =	vmax.f32 v1, $9.999999960e-13  }
0x121: {  	(erf) = vrcp.f32 v1;
	_ =	sdelay $0x4  }
0x122: {  	v1 =	vld [tilespmem:s0+$0x2000];
	_ =	sdelay $0x3  }
0x123: {  	v2 =	vpop (erf)  }
0x124: {  	v2 =	vmul.f32 v2, v1;
	_ =	sdelay $0x1  }
0x125: {  	v2 =	vsub.f32 $0.0e+00, v2;
	_ =	sdelay $0x1  }
0x126: {  	vm0 =	vge.f32 v1, $0.0e+00;
	v1 =	vmul.f32 $1.442695020e+00, v2;
	_ =	sdelay $0x1  }
0x127: {  	(erf) = vpow2.f32 v1;
	_ =	sdelay $0x1  }
0x128: {  	v2 =	vsel vm0, $0x3F800000, v0  }
0x129: {  	s11 =	simm.s32 $0x10;
	s6 =	simm.s32 $0x80;
	[tilespmem:s0+$0x3000] =	vst v2  }
.LBB2_7:
0x12a: {  	p0 =	sne.s32 s6, $0x1FC0;
	v1 =	vld [tilespmem:s11+$0x1800]  }
0x12b: {  	v2 =	vld [tilespmem:s11+$0x2000];
	_ =	sdelay $0x3  }
0x12c: {  	v3 =	vpop (erf)  }
0x12d: {  	v3 =	vnsel vm0, $0x0, v3;
	vm0 =	vge.f32 v2, $0.0e+00  }
0x12e: {  	v4 =	vsel vm0, $0x3F800000, v0;
	[tilespmem:s0+$0x2800] =	vst v3;
	s0 =	smov.u32 s11  }
0x12f: {  	v1 =	vld.idx.msk [tilespmem:v1+s2+$0x0], $0xffff;
	[tilespmem:s0+$0x3000] =	vst v4;
	_ =	sdelay $0x5  }
0x130: {  	v1 =	vmax.f32 v1, $9.999999960e-13  }
0x131: {  	(erf) = vrcp.f32 v1;
	_ =	sdelay $0x8  }
0x132: {  	v1 =	vpop (erf)  }
0x133: {  	v1 =	vmul.f32 v1, v2;
	_ =	sdelay $0x1  }
0x134: {  	v1 =	vsub.f32 $0.0e+00, v1;
	_ =	sdelay $0x1  }
0x135: {  	v1 =	vmul.f32 $1.442695020e+00, v1  }
.Ltmp2:
0x136: {  	(pc) =	sbr.rel @p0 .LBB2_7-.Ltmp2, $2  }
0x137: {  	(erf) = vpow2.f32 v1;
	_ =	sdelay $0x2  }
0x138: {  	s11 =	sshra.s32 s6, $0x2;
	s6 =	sadd.s32 $0x40, s6  }
0x139: {  	v1 =	vld [tilespmem:s11+$0x1800];
	_ =	sdelay $0x4  }
0x13a: {  	v2 =	vpop (erf)  }
0x13b: {  	v2 =	vnsel vm0, $0x0, v2  }
0x13c: {  	v3 =	vld [tilespmem:s11+$0x2000];
	[tilespmem:s0+$0x2800] =	vst v2  }
0x13d: {  	v1 =	vld.idx.msk [tilespmem:v1+s2+$0x0], $0xffff;
	_ =	sdelay $0x4  }
0x13e: {  	v1 =	vmax.f32 v1, $9.999999960e-13  }
0x13f: {  	(erf) = vrcp.f32 v1;
	_ =	sdelay $0x8  }
0x140: {  	v1 =	vpop (erf)  }
0x141: {  	v1 =	vmul.f32 v1, v3;
	_ =	sdelay $0x1  }
0x142: {  	v1 =	vsub.f32 $0.0e+00, v1;
	_ =	sdelay $0x1  }
0x143: {  	v1 =	vmul.f32 $1.442695020e+00, v1;
	_ =	sdelay $0x1  }
0x144: {  	(erf) = vpow2.f32 v1;
	_ =	sdelay $0x7  }
0x145: {  	vm15 =	vge.f32 v3, $0.0e+00  }
0x146: {  	v1 =	vsel vm15, $0x3F800000, v0;
	v2 =	vpop (erf)  }
0x147: {  	[tilespmem:s11+$0x3000] =	vst v1;
	v1 =	vnsel vm15, $0x0, v2  }
0x148: {  	s31 =	simm.s32 $0x0;
	s0 =	simm.s32 $0x0;
	[tilespmem:s11+$0x2800] =	vst v1  }
.LBB2_9:
0x149: {  	s6 =	sshll.u32 s0, $0x7;
	v2 =	vmov s31  }
0x14a: {  	s15 =	rddreg [dreg:$0x2];
	s11 =	sadd.s32 $0x1000, s6;
	v1 =	vmov s6;
	v2 =	vand.u32 $0x7F, v2  }
0x14b: {  	[tilespmem:s26], [sflag:$0x1] =	stream.indirect.gather [hbm4b:s15+s29], $0x80, s11, s29, $0xb8;
	v2 =	vadd.s32 v1, v2;
	[tilespmem:$0x1EA00] =	vst v63  }
0x14c: {  	_ =	swait.ge [sflag:s4], $0x4000;
	v2 =	vbroadcast v2, $0x0  }
0x14d: {  	[sflag:s4] =	ssyncset.done $0x0  }
0x14e: {  	s11 =	simm.s32 $0x3840;
	[sflag:s4] =	ssyncadd.s32 $0xFFFFC000  }
0x14f: {  	v6 =	vld [tilespmem:s11+$0x30]  }
0x150: {  	v9 =	vld [tilespmem:s11+$0x10]  }
0x151: {  	v7 =	vld [tilespmem:s11+$0xFFFFFFC0]  }
0x152: {  	v3 =	vld.idx.msk [tilespmem:v2+s5+$0x0], $0xffff  }
0x153: {  	v12 =	vld [tilespmem:s11+$0xFFFFFFE0]  }
0x154: {  	v4 =	vld [tilespmem:s11+$0x20]  }
0x155: {  	v5 =	vld [tilespmem:s11+$0xFFFFFFD0]  }
0x156: {  	v2 =	vld [tilespmem:s11+$0xFFFFFFF0]  }
0x157: {  	v10 =	vmul.f32 v6, v3;
	v6 =	vld [tilespmem:s11+$0x0]  }
0x158: {  	s23 =	simm.s32 $0x1;
	v8 =	vmul.f32 v7, v3  }
0x159: {  	s16 =	simm.s32 $0x2;
	v11 =	vmov s23;
	s15 =	simm.s32 $0x3840;
	v7 =	vmul.f32 v12, v3;
	v9 =	vmul.f32 v9, v3  }
.LBB2_10:
0x15a: {  	p0 =	sne.s32 s16, $0x7F  }
0x15b: {  	v11 =	vand.u32 $0x7F, v11;
	v5 =	vmul.f32 v5, v3;
	v4 =	vmul.f32 v4, v3;
	[tilespmem:s11+$0x30] =	vst v10;
	s15 =	sadd.s32 $0x80, s15;
	s17 =	smov.u32 s16;
	s16 =	sadd.s32 $0x1, s16  }
0x15c: {  	v10 =	vadd.s32 v1, v11;
	[tilespmem:s11+$0xFFFFFFC0] =	vst v8;
	v8 =	vmul.f32 v2, v3;
	v3 =	vmul.f32 v6, v3  }
0x15d: {  	v6 =	vbroadcast v10, $0x0;
	[tilespmem:s11+$0x10] =	vst v9  }
0x15e: {  	[tilespmem:s11+$0xFFFFFFE0] =	vst v7  }
0x15f: {  	v2 =	vld [tilespmem:s15+$0xFFFFFFF0];
	[tilespmem:s11+$0xFFFFFFF0] =	vst v8  }
0x160: {  	v7 =	vld [tilespmem:s15+$0x30];
	[tilespmem:s11+$0x0] =	vst v3  }
0x161: {  	v9 =	vld [tilespmem:s15+$0x10];
	[tilespmem:s11+$0x20] =	vst v4  }
0x162: {  	v8 =	vld [tilespmem:s15+$0xFFFFFFC0];
	[tilespmem:s11+$0xFFFFFFD0] =	vst v5;
	s11 =	smov.u32 s15  }
0x163: {  	v3 =	vld.idx.msk [tilespmem:v6+s5+$0x0], $0xffff  }
0x164: {  	v12 =	vld [tilespmem:s15+$0xFFFFFFE0]  }
0x165: {  	v4 =	vld [tilespmem:s15+$0x20]  }
.Ltmp3:
0x166: {  	v5 =	vld [tilespmem:s15+$0xFFFFFFD0];
	(pc) =	sbr.rel @p0 .LBB2_10-.Ltmp3, $3  }
0x167: {  	v6 =	vld [tilespmem:s15+$0x0];
	_ =	sdelay $0x1  }
0x168: {  	v8 =	vmul.f32 v8, v3;
	v10 =	vmul.f32 v7, v3  }
0x169: {  	v11 =	vmov s17;
	v9 =	vmul.f32 v9, v3;
	v7 =	vmul.f32 v12, v3  }
0x16a: {  	[tilespmem:s11+$0x30] =	vst v10;
	v58 =	vand.u32 $0x7F, v11  }
0x16b: {  	[tilespmem:s11+$0xFFFFFFC0] =	vst v8;
	v1 =	vadd.s32 v1, v58  }
0x16c: {  	v2 =	vmul.f32 v2, v3;
	[tilespmem:s11+$0x10] =	vst v9;
	v1 =	vbroadcast v1, $0x0  }
0x16d: {  	s15 =	sadd.s32 $0x80, s15;
	[tilespmem:s11+$0xFFFFFFE0] =	vst v7;
	v6 =	vmul.f32 v6, v3  }
0x16e: {  	v4 =	vmul.f32 v4, v3;
	v3 =	vmul.f32 v5, v3;
	v7 =	vld [tilespmem:s15+$0xFFFFFFF0];
	[tilespmem:s11+$0xFFFFFFF0] =	vst v2  }
0x16f: {  	v2 =	vld [tilespmem:s15+$0x30];
	[tilespmem:s11+$0x0] =	vst v6  }
0x170: {  	v60 =	vld [tilespmem:s15+$0xFFFFFFC0];
	[tilespmem:s11+$0xFFFFFFD0] =	vst v3  }
0x171: {  	v59 =	vld [tilespmem:s15+$0x10];
	[tilespmem:s11+$0x20] =	vst v4  }
0x172: {  	v1 =	vld.idx.msk [tilespmem:v1+s5+$0x0], $0xffff;
	_ =	sdelay $0x2  }
0x173: {  	v6 =	vld [tilespmem:s15+$0x0]  }
0x174: {  	v3 =	vld [tilespmem:s15+$0xFFFFFFE0]  }
0x175: {  	v2 =	vmul.f32 v2, v1  }
0x176: {  	v61 =	vld [tilespmem:s15+$0x20];
	v4 =	vmul.f32 v60, v1  }
0x177: {  	v62 =	vld [tilespmem:s15+$0xFFFFFFD0];
	v5 =	vmul.f32 v59, v1;
	[tilespmem:s15+$0x30] =	vst v2  }
0x178: {  	v63 =	vmul.f32 v6, v1;
	[tilespmem:s15+$0xFFFFFFC0] =	vst v4  }
0x179: {  	v2 =	vmul.f32 v3, v1;
	[tilespmem:s15+$0x10] =	vst v5  }
0x17a: {  	v3 =	vmul.f32 v7, v1;
	[tilespmem:s15+$0x0] =	vst v63  }
0x17b: {  	[tilespmem:s15+$0xFFFFFFE0] =	vst v2;
	v2 =	vmul.f32 v61, v1  }
0x17c: {  	[tilespmem:s15+$0xFFFFFFF0] =	vst v3;
	v1 =	vmul.f32 v62, v1  }
0x17d: {  	[tilespmem:s15+$0x20] =	vst v2  }
0x17e: {  	s17 =	rddreg [dreg:$0x3];
	s11 =	sadd.s32 $0x1800, s6;
	[tilespmem:s15+$0xFFFFFFD0] =	vst v1  }
0x17f: {  	[spmem:s17] =	stream.indirect.scatter.add.f32 [tilespmem:s26], [sflag:$0x2], $0x80, s11, s29, $0xb8;
	[tilespmem:$0x1EA00] =	vst v63  }
0x180: {  	_ =	swait.ge [sflag:s25], $0x4000  }
0x181: {  	[sflag:s25] =	ssyncset.done $0x0  }
0x182: {  	[sflag:s25] =	ssyncadd.s32 $0xFFFFC000  }
0x183: {  	s23 =	sadd.s32 $0x2800, s6;
	s16 =	rddreg [dreg:$0x5]  }
0x184: {  	[spmem:s16] =	stream.indirect.scatter.add.f32 [tilespmem:s23], [sflag:$0x2], $0x1, s11, s29, $0xb8;
	[tilespmem:$0x1EA00] =	vst v63  }
0x185: {  	_ =	swait.ge [sflag:s25], $0x80  }
0x186: {  	s0 =	sadd.s32 $0x1, s0;
	[sflag:s25] =	ssyncset.done $0x0  }
0x187: {  	p0 =	sne.s32 s0, $0x10;
	[sflag:s25] =	ssyncadd.s32 $0xFFFFFF80  }
.Ltmp4:
0x188: {  	s17 =	sadd.s32 $0x3000, s6;
	s23 =	rddreg [dreg:$0x6];
	(pc) =	sbr.rel @p0 .LBB2_9-.Ltmp4, $4  }
0x189: {  	[spmem:s23] =	stream.indirect.scatter.add.f32 [tilespmem:s17], [sflag:$0x2], $0x1, s11, s29, $0xb8;
	[tilespmem:$0x1EA00] =	vst v63  }
0x18a: {  	_ =	swait.ge [sflag:s25], $0x80  }
0x18b: {  	[sflag:s25] =	ssyncset.done $0x0  }
0x18c: {  	[sflag:s25] =	ssyncadd.s32 $0xFFFFFF80  }
0x18d: {  	s30 =	sadd.s32 $0x1, s30  }
0x18e: {  	p0 =	sne.s32 s30, $0x5  }
.Ltmp5:
0x18f: {  	_ = 	snop;
	(pc) =	sbr.rel @p0 .LBB2_6-.Ltmp5, $1  }
0x190: {  	_ =	sdelay $0x3  }
0x191: {  	s0 =	stileid.u32;
	[bflag:$0x0] =	sbarrier.arrive $0xFFFF  }
0x192: {  	s0 =	sshll.u32 s0, $0x6;
	s15 =	rddreg [dreg:$0x16]  }
0x193: {  	s11 =	rddreg [dreg:$0x1d];
	s0 =	sor.u32 $0x1C02, s0;
	s6 =	sshrl.u32 s15, $0x3  }
0x194: {  	[hbm:s11], [sflag:s0] =	dma.local [spmem:s6], $0x2800  }
0x195: {  	s18 =	simm.s32 $0x20;
	_ =	swait.ge [sflag:s25], $0x2800  }
0x196: {  	s20 =	simm.s32 $0x10;
	[sflag:s25] =	ssyncset.done $0x0;
	s11 =	rddreg [dreg:$0x15]  }
0x197: {  	s16 =	rddreg [dreg:$0x1e];
	[sflag:s25] =	ssyncadd.s32 $0xFFFFD800;
	s17 =	sshrl.u32 s11, $0x3  }
0x198: {  	[hbm:s16@s18], [sflag:s0] =	dma.strided [spmem:s17@s20], $0x50, s4, $0x10   }
0x199: {  	_ =	swait.ge [sflag:s25], $0x50  }
0x19a: {  	[sflag:s25] =	ssyncset.done $0x0;
	s16 =	rddreg [dreg:$0x17]  }
0x19b: {  	s17 =	rddreg [dreg:$0x1f];
	[sflag:s25] =	ssyncadd.s32 $0xFFFFFFB0;
	s21 =	sshrl.u32 s16, $0x3  }
0x19c: {  	[hbm:s17@s18], [sflag:s0] =	dma.strided [spmem:s21@s20], $0x50, s4, $0x10   }
0x19d: {  	_ =	swait.ge [sflag:s25], $0x50  }
0x19e: {  	s22 =	sld [smem:$0x7FC]  }
0x19f: {  	s23 =	sld [smem:$0x7FD];
	_ =	sdelay $0x1  }
0x1a0: {  	s6 =	sadd.s32 $0x1, s22  }
0x1a1: {  	p0 =	sne.s32 s6, s23  }
.Ltmp6:
0x1a2: {  	_ = 	snop;
	(pc) =	sbr.rel @p0 .LBB2_1-.Ltmp6, $4  }
0x1a3: {  	s31 =	simm.s32 $0x280  }
0x1a4: {  	s30 =	simm.s32 $0xD00;
	s17 =	simm.s32 $0xA80;
	s18 =	simm.s32 $0x380  }
0x1a5: {  	s20 =	simm.s32 $0xC00;
	s21 =	simm.s32 $0x400;
	[sflag:s25] =	ssyncset.done $0x0  }
0x1a6: {  	[sflag:s25] =	ssyncadd.s32 $0xFFFFFFB0;
	s22 =	simm.s32 $0xC80;
	s23 =	simm.s32 $0x480  }
0x1a7: {  	_ =	sfence.sel $0x180000  }
0x1a8: {  	[bflag:$0x0] =	sbarrier.arrive $0xFFFF  }
0x1a9: {  	_ =	strace $0x90000047  }
0x1aa: {  	s0 =	stileid.u32;
	[bflag:$0x2] =	sbarrier.arrive $0xFFFF  }
0x1ab: {  	p0 =	sne.s32 s0, $0x0;
	s0 =	rddreg [dreg:$0x7]  }
0x1ac: {  	s0 =	sadd.s32 @!p0 $0x100000, s0  }
0x1ad: {  	[sflag:s0] =	ssyncadd.tile.s32 @!p0 $0x1;
	_ =	shalt  }
.Lfunc_end2:
_tile_overlayer_lowered:
.L_overlay_start_2:
0x1ae: {  	(tag) =	ssettag $0x2  }
0x1af: {  	s0 =	rddreg [dreg:$0x0];
	s2 =	stileid.u32  }
0x1b0: {  	s1 =	rddreg [dreg:$0x1];
	p0 =	sne.s32 s2, $0x0  }
0x1b1: {  	s3 =	rddreg [dreg:$0x2];
	[bflag:$0x3] =	sbarrier.arrive $0xFFFF;
	s2 =	simm.s32 @!p0 $0x1C02  }
0x1b2: {  	[timem:s3], [sflag:s2] =	dma.local @!p0 [hbm:s0], s1  }
0x1b3: {  	s0 =	simm.s32 @!p0 $0x2  }
0x1b4: {  	_ =	swait.ge @!p0 [sflag:s0], s1  }
0x1b5: {  	s1 =	ssub.s32 @!p0 $0x0, s1;
	[sflag:s0] =	ssyncset.done @!p0 $0x0  }
0x1b6: {  	[sflag:s0] =	ssyncadd.s32 @!p0 s1  }
0x1b7: {  	[bflag:$0x3] =	sbarrier.arrive $0xFFFF  }
0x1b8: {  	_ =	shalt  }

</sc_bundles>
